<compile_context>
chip_gen: v7x
topology: tpu7x:2x2x1
jax: 0.10.2.dev20260603
libtpu: 0.0.44.dev20260713+nightly
codegen_flags: <defaults>
</compile_context>

<pallas_src>
import functools

import jax
import jax.numpy as jnp
from jax import lax
from jax.experimental import pallas as pl
from jax.experimental.pallas import tpu as pltpu
from jax.experimental.pallas import tpu_sc as plsc

_NC = 2
_NS = 16
_NW = _NC * _NS
_L = 16


@functools.cache
def _gather_call(n_rows, vocab, batch, d):
    per_tile = -(-n_rows // _NW)
    n_q = 4
    q = batch // n_q
    mesh = plsc.VectorSubcoreMesh(core_axis_name="c", subcore_axis_name="s")

    @functools.partial(
        pl.kernel,
        out_type=jax.ShapeDtypeStruct((n_rows, batch), jnp.float32),
        mesh=mesh,
        scratch_types=[
            pltpu.VMEM((vocab,), jnp.float32),
            pltpu.VMEM((batch,), jnp.int32),
            pltpu.VMEM((2, q), jnp.float32),
            pltpu.SemaphoreType.DMA,
            pltpu.SemaphoreType.DMA,
        ],
        compiler_params=pltpu.CompilerParams(needs_layout_passes=False),
    )
    def k(tab_hbm, idx_hbm, out_hbm, vbuf, ci, stage, sem_in, sem_out):
        wid = lax.axis_index("s") * _NC + lax.axis_index("c")

        def pair_body(kk, f_prev):
            p = wid * per_tile + kk
            f = jnp.minimum(p, n_rows - 1) // d

            @pl.when(p < n_rows)
            def _():
                j = lax.rem(p, d)
                vd = pltpu.async_copy(tab_hbm.at[f, j], vbuf, sem_in)

                @pl.when(f != f_prev)
                def _():
                    pltpu.sync_copy(idx_hbm.at[f], ci)

                vd.wait()
                out_descs = [None, None]
                for h in range(n_q):
                    if out_descs[h % 2] is not None:
                        out_descs[h % 2].wait()

                    def gather_body(i, c):
                        iv = ci[pl.ds(h * q + i * _L, _L)]
                        stage[h % 2, pl.ds(i * _L, _L)] = plsc.load_gather(vbuf, [iv])
                        return c

                    lax.fori_loop(0, q // _L, gather_body, 0, unroll=16)
                    out_descs[h % 2] = pltpu.async_copy(
                        stage.at[h % 2], out_hbm.at[p, pl.ds(h * q, q)], sem_out
                    )
                for dd in out_descs:
                    dd.wait()

            return f

        lax.fori_loop(0, per_tile, pair_body, jnp.int32(-1))

    return k


def kernel(cat, tables):
    batch, n_fields = cat.shape
    _, vocab, d = tables.shape
    tab = tables.transpose(0, 2, 1)
    idx = cat.T
    out_t = _gather_call(n_fields * d, vocab, batch, d)(tab, idx)
    return out_t.T

# --- scband reference (transcript-rebuilt; emitter-appended) ---
"""Pipeline reference for scband-cat-embedder-11596411699218 (READ-ONLY COPY).

The authoritative reference and input builder live on the scoring server;
editing this copy changes nothing except your own understanding.
"""

import jax, jax.numpy as jnp
import numpy as np

N_FIELDS = 26
VOCAB = 100000
EMB_DIM = 50  # min(max_emb_size=50, (100000+1)//3)
BATCH = 16384


def setup_inputs(seed: int = 0) -> dict:
    key = jax.random.key(seed)
    k_idx, k_tab = jax.random.split(key)
    cat = jax.random.randint(k_idx, (BATCH, N_FIELDS), 0, VOCAB, dtype=jnp.int32)
    # One embedding table per categorical field, stacked: [n_fields, vocab, emb_dim]
    tables = jax.random.normal(k_tab, (N_FIELDS, VOCAB, EMB_DIM), dtype=jnp.float32)
    return {"cat": cat, "tables": tables}


def reference(cat, tables):
    # Faithful translation of CatEmbedder.forward in eval mode (dropout = identity):
    # output = concat([emb_layers[i](inp['cat'][:, i]) for i in range(n_fields)], dim=1)
    outs = [jnp.take(tables[i], cat[:, i], axis=0) for i in range(N_FIELDS)]
    output = jnp.concatenate(outs, axis=1)  # [BATCH, N_FIELDS * EMB_DIM]
    return output

if __name__ == "__main__":
    import jax
    _d = setup_inputs()
    print(jax.jit(kernel)(*tuple(_d.values())))

</pallas_src>

<mosaic_0001>
#map = affine_map<(d0, d1) -> (0, 0, 0)>
#map1 = affine_map<(d0, d1) -> (0, 0)>
module attributes {stable_mosaic.version = 14 : i64} {
  func.func @k(%arg0: i32, %arg1: i32, %arg2: memref<26x50x100000xf32, #tpu.memory_space<hbm>>, %arg3: memref<26x16384xi32, #tpu.memory_space<hbm>>, %arg4: memref<1300x16384xf32, #tpu.memory_space<hbm>>, %arg5: memref<100000xf32, #tpu.memory_space<vmem>>, %arg6: memref<16384xi32, #tpu.memory_space<vmem>>, %arg7: memref<2x4096xf32, #tpu.memory_space<vmem>>, %arg8: memref<!tpu.dma_semaphore, #tpu.memory_space<semaphore_mem>>, %arg9: memref<!tpu.dma_semaphore, #tpu.memory_space<semaphore_mem>>) attributes {dimension_semantics = [#tpu.dimension_semantics<core_parallel>, #tpu.dimension_semantics<subcore_parallel>], iteration_bounds = array<i64: 2, 16>, scalar_prefetch = 0 : i64, scratch_operands = 5 : i64, tpu.core_type = #tpu.core_type<sc_vector_subcore>, window_params = [{transform_indices = #map}, {transform_indices = #map1}, {transform_indices = #map1}]} {
    %mul3A = arith.constant 2 : i32
    %mul3A_0 = arith.muli %arg1, %mul3A : i32
    %add3A = arith.addi %mul3A_0, %arg0 : i32
    %scan3A = arith.constant -1 : i32
    %scan3A_1 = arith.constant 0 : i32
    %scan3A_2 = arith.constant 41 : i32
    %scan3A_3 = arith.addi %scan3A_1, %scan3A_2 : i32
    %scan3A_4 = arith.constant 1 : i32
    %scan3A_5 = scf.for %scan3A_7 = %scan3A_1 to %scan3A_3 step %scan3A_4 iter_args(%scan3A_8 = %scan3A) -> (i32)  : i32 {
      %mul3A_9 = arith.constant 41 : i32
      %mul3A_10 = arith.muli %add3A, %mul3A_9 : i32
      %add3A_11 = arith.addi %mul3A_10, %scan3A_7 : i32
      %min3A = arith.constant 1299 : i32
      %min3A_12 = arith.minsi %add3A_11, %min3A : i32
      %jit3A = arith.constant 50 : i32
      %div3A = arith.divsi %min3A_12, %jit3A : i32
      %sign3A = arith.constant 0 : i32
      %sign3A_13 = arith.cmpi sgt, %min3A_12, %sign3A : i32
      %sign3A_14 = arith.extui %sign3A_13 : i1 to i32
      %sign3A_15 = arith.constant 0 : i32
      %sign3A_16 = arith.cmpi slt, %min3A_12, %sign3A_15 : i32
      %sign3A_17 = arith.extui %sign3A_16 : i1 to i32
      %sign3A_18 = arith.subi %sign3A_14, %sign3A_17 : i32
      %sign3A_19 = arith.constant 0 : i32
      %sign3A_20 = arith.cmpi sgt, %jit3A, %sign3A_19 : i32
      %sign3A_21 = arith.extui %sign3A_20 : i1 to i32
      %sign3A_22 = arith.constant 0 : i32
      %sign3A_23 = arith.cmpi slt, %jit3A, %sign3A_22 : i32
      %sign3A_24 = arith.extui %sign3A_23 : i1 to i32
      %sign3A_25 = arith.subi %sign3A_21, %sign3A_24 : i32
      %ne3A = arith.cmpi ne, %sign3A_18, %sign3A_25 : i32
      %rem3A = arith.remsi %min3A_12, %jit3A : i32
      %ne3A_26 = arith.constant 0 : i32
      %ne3A_27 = arith.cmpi ne, %rem3A, %ne3A_26 : i32
      %and3A = arith.andi %ne3A, %ne3A_27 : i1
      %sub3A = arith.constant 1 : i32
      %sub3A_28 = arith.subi %div3A, %sub3A : i32
      %select_n3A = arith.select %and3A, %sub3A_28, %div3A : i32
      %lt3A = arith.constant 1300 : i32
      %lt3A_29 = arith.cmpi slt, %add3A_11, %lt3A : i32
      %convert_element_type3A = arith.extui %lt3A_29 : i1 to i32
      %cond3A = arith.constant 0 : i32
      %cond3A_30 = arith.cmpi ne, %convert_element_type3A, %cond3A : i32
      scf.if %cond3A_30 {
        %rem3A_31 = arith.constant 50 : i32
        %rem3A_32 = arith.remsi %add3A_11, %rem3A_31 : i32
        %dma_start3A = arith.constant 0 : i32
        %dma_start3A_33 = tpu.memref_slice %arg2[%select_n3A, %rem3A_32, %dma_start3A] : memref<26x50x100000xf32, #tpu.memory_space<hbm>> -> memref<1x1x100000xf32, #tpu.memory_space<hbm>>
        %dma_start3A_34 = tpu.memref_squeeze %dma_start3A_33 : memref<1x1x100000xf32, #tpu.memory_space<hbm>> -> memref<100000xf32, #tpu.memory_space<hbm>>
        %dma_start3A_35 = arith.constant 0 : i32
        %dma_start3A_36 = tpu.memref_slice %arg2[%select_n3A, %rem3A_32, %dma_start3A_35] : memref<26x50x100000xf32, #tpu.memory_space<hbm>> -> memref<1x1x100000xf32, #tpu.memory_space<hbm>>
        %dma_start3A_37 = tpu.memref_squeeze %dma_start3A_36 : memref<1x1x100000xf32, #tpu.memory_space<hbm>> -> memref<100000xf32, #tpu.memory_space<hbm>>
        tpu.enqueue_dma source(%dma_start3A_37 : memref<100000xf32, #tpu.memory_space<hbm>>) target(%arg5 : memref<100000xf32, #tpu.memory_space<vmem>>) target_semaphore(%arg8 : memref<!tpu.dma_semaphore, #tpu.memory_space<semaphore_mem>>)
        %ne3A_38 = arith.cmpi ne, %select_n3A, %scan3A_8 : i32
        %convert_element_type3A_39 = arith.extui %ne3A_38 : i1 to i32
        %cond3A_40 = arith.constant 0 : i32
        %cond3A_41 = arith.cmpi ne, %convert_element_type3A_39, %cond3A_40 : i32
        scf.if %cond3A_41 {
          "tpu.region"() ({
            %run_scoped3A = tpu.sem_alloc : memref<!tpu.dma_semaphore, #tpu.memory_space<semaphore_mem>>
            %dma_start3A_175 = arith.constant 0 : i32
            %dma_start3A_176 = tpu.memref_slice %arg3[%select_n3A, %dma_start3A_175] : memref<26x16384xi32, #tpu.memory_space<hbm>> -> memref<1x16384xi32, #tpu.memory_space<hbm>>
            %dma_start3A_177 = tpu.memref_squeeze %dma_start3A_176 : memref<1x16384xi32, #tpu.memory_space<hbm>> -> memref<16384xi32, #tpu.memory_space<hbm>>
            %dma_start3A_178 = arith.constant 0 : i32
            %dma_start3A_179 = tpu.memref_slice %arg3[%select_n3A, %dma_start3A_178] : memref<26x16384xi32, #tpu.memory_space<hbm>> -> memref<1x16384xi32, #tpu.memory_space<hbm>>
            %dma_start3A_180 = tpu.memref_squeeze %dma_start3A_179 : memref<1x16384xi32, #tpu.memory_space<hbm>> -> memref<16384xi32, #tpu.memory_space<hbm>>
            tpu.enqueue_dma source(%dma_start3A_180 : memref<16384xi32, #tpu.memory_space<hbm>>) target(%arg6 : memref<16384xi32, #tpu.memory_space<vmem>>) target_semaphore(%run_scoped3A : memref<!tpu.dma_semaphore, #tpu.memory_space<semaphore_mem>>)
            %dma_wait3A_181 = arith.constant 0 : i32
            %dma_wait3A_182 = tpu.memref_slice %arg3[%select_n3A, %dma_wait3A_181] : memref<26x16384xi32, #tpu.memory_space<hbm>> -> memref<1x16384xi32, #tpu.memory_space<hbm>>
            %dma_wait3A_183 = tpu.memref_squeeze %dma_wait3A_182 : memref<1x16384xi32, #tpu.memory_space<hbm>> -> memref<16384xi32, #tpu.memory_space<hbm>>
            %dma_wait3A_184 = arith.constant 0 : i32
            %dma_wait3A_185 = tpu.memref_slice %arg3[%select_n3A, %dma_wait3A_184] : memref<26x16384xi32, #tpu.memory_space<hbm>> -> memref<1x16384xi32, #tpu.memory_space<hbm>>
            %dma_wait3A_186 = tpu.memref_squeeze %dma_wait3A_185 : memref<1x16384xi32, #tpu.memory_space<hbm>> -> memref<16384xi32, #tpu.memory_space<hbm>>
            tpu.wait_dma2 semaphore(%run_scoped3A : memref<!tpu.dma_semaphore, #tpu.memory_space<semaphore_mem>>) src(%dma_wait3A_186 : memref<16384xi32, #tpu.memory_space<hbm>>) dst(%arg6 : memref<16384xi32, #tpu.memory_space<vmem>>)
            tpu.yield
          }) : () -> ()
        } else {
        }
        %dma_wait3A = arith.constant 0 : i32
        %dma_wait3A_42 = tpu.memref_slice %arg2[%select_n3A, %rem3A_32, %dma_wait3A] : memref<26x50x100000xf32, #tpu.memory_space<hbm>> -> memref<1x1x100000xf32, #tpu.memory_space<hbm>>
        %dma_wait3A_43 = tpu.memref_squeeze %dma_wait3A_42 : memref<1x1x100000xf32, #tpu.memory_space<hbm>> -> memref<100000xf32, #tpu.memory_space<hbm>>
        %dma_wait3A_44 = arith.constant 0 : i32
        %dma_wait3A_45 = tpu.memref_slice %arg2[%select_n3A, %rem3A_32, %dma_wait3A_44] : memref<26x50x100000xf32, #tpu.memory_space<hbm>> -> memref<1x1x100000xf32, #tpu.memory_space<hbm>>
        %dma_wait3A_46 = tpu.memref_squeeze %dma_wait3A_45 : memref<1x1x100000xf32, #tpu.memory_space<hbm>> -> memref<100000xf32, #tpu.memory_space<hbm>>
        tpu.wait_dma2 semaphore(%arg8 : memref<!tpu.dma_semaphore, #tpu.memory_space<semaphore_mem>>) src(%dma_wait3A_46 : memref<100000xf32, #tpu.memory_space<hbm>>) dst(%arg5 : memref<100000xf32, #tpu.memory_space<vmem>>)
        %scan3A_47 = arith.constant 0 : i32
        %scan3A_48 = arith.constant 0 : i32
        %scan3A_49 = arith.constant 256 : i32
        %scan3A_50 = arith.addi %scan3A_48, %scan3A_49 : i32
        %scan3A_51 = arith.constant 16 : i32
        scf.for %scan3A_175 = %scan3A_48 to %scan3A_50 step %scan3A_51  : i32 {
          %mul3A_176 = arith.constant 16 : i32
          %mul3A_177 = arith.muli %scan3A_175, %mul3A_176 : i32
          %add3A_178 = arith.constant 0 : i32
          %add3A_179 = arith.addi %add3A_178, %mul3A_177 : i32
          %get3A = arith.index_cast %add3A_179 : i32 to index
          %get3A_180 = tpu.vector_load %arg6[%get3A] {strides = array<i32>} : memref<16384xi32, #tpu.memory_space<vmem>>, vector<16xi32>,
          %gather3A = tpu.vector_load_idx %arg5[%get3A_180] : memref<100000xf32, #tpu.memory_space<vmem>>[vector<16xi32>], vector<16xf32>,
          %mul3A_181 = arith.constant 16 : i32
          %mul3A_182 = arith.muli %scan3A_175, %mul3A_181 : i32
          %swap3A = arith.constant 0 : i32
          %swap3A_183 = arith.index_cast %swap3A : i32 to index
          %swap3A_184 = arith.index_cast %mul3A_182 : i32 to index
          %swap3A_185 = tpu.vector_load %arg7[%swap3A_183, %swap3A_184] {strides = array<i32>} : memref<2x4096xf32, #tpu.memory_space<vmem>>, vector<16xf32>,
          tpu.vector_store %arg7[%swap3A_183, %swap3A_184], %gather3A {strides = array<i32>} : memref<2x4096xf32, #tpu.memory_space<vmem>>, vector<16xf32>,
          %scan3A_186 = arith.constant 1 : i32
          %scan3A_187 = arith.addi %scan3A_175, %scan3A_186 : i32
          %mul3A_188 = arith.constant 16 : i32
          %mul3A_189 = arith.muli %scan3A_187, %mul3A_188 : i32
          %add3A_190 = arith.constant 0 : i32
          %add3A_191 = arith.addi %add3A_190, %mul3A_189 : i32
          %get3A_192 = arith.index_cast %add3A_191 : i32 to index
          %get3A_193 = tpu.vector_load %arg6[%get3A_192] {strides = array<i32>} : memref<16384xi32, #tpu.memory_space<vmem>>, vector<16xi32>,
          %gather3A_194 = tpu.vector_load_idx %arg5[%get3A_193] : memref<100000xf32, #tpu.memory_space<vmem>>[vector<16xi32>], vector<16xf32>,
          %mul3A_195 = arith.constant 16 : i32
          %mul3A_196 = arith.muli %scan3A_187, %mul3A_195 : i32
          %swap3A_197 = arith.constant 0 : i32
          %swap3A_198 = arith.index_cast %swap3A_197 : i32 to index
          %swap3A_199 = arith.index_cast %mul3A_196 : i32 to index
          %swap3A_200 = tpu.vector_load %arg7[%swap3A_198, %swap3A_199] {strides = array<i32>} : memref<2x4096xf32, #tpu.memory_space<vmem>>, vector<16xf32>,
          tpu.vector_store %arg7[%swap3A_198, %swap3A_199], %gather3A_194 {strides = array<i32>} : memref<2x4096xf32, #tpu.memory_space<vmem>>, vector<16xf32>,
          %scan3A_201 = arith.constant 2 : i32
          %scan3A_202 = arith.addi %scan3A_175, %scan3A_201 : i32
          %mul3A_203 = arith.constant 16 : i32
          %mul3A_204 = arith.muli %scan3A_202, %mul3A_203 : i32
          %add3A_205 = arith.constant 0 : i32
          %add3A_206 = arith.addi %add3A_205, %mul3A_204 : i32
          %get3A_207 = arith.index_cast %add3A_206 : i32 to index
          %get3A_208 = tpu.vector_load %arg6[%get3A_207] {strides = array<i32>} : memref<16384xi32, #tpu.memory_space<vmem>>, vector<16xi32>,
          %gather3A_209 = tpu.vector_load_idx %arg5[%get3A_208] : memref<100000xf32, #tpu.memory_space<vmem>>[vector<16xi32>], vector<16xf32>,
          %mul3A_210 = arith.constant 16 : i32
          %mul3A_211 = arith.muli %scan3A_202, %mul3A_210 : i32
          %swap3A_212 = arith.constant 0 : i32
          %swap3A_213 = arith.index_cast %swap3A_212 : i32 to index
          %swap3A_214 = arith.index_cast %mul3A_211 : i32 to index
          %swap3A_215 = tpu.vector_load %arg7[%swap3A_213, %swap3A_214] {strides = array<i32>} : memref<2x4096xf32, #tpu.memory_space<vmem>>, vector<16xf32>,
          tpu.vector_store %arg7[%swap3A_213, %swap3A_214], %gather3A_209 {strides = array<i32>} : memref<2x4096xf32, #tpu.memory_space<vmem>>, vector<16xf32>,
          %scan3A_216 = arith.constant 3 : i32
          %scan3A_217 = arith.addi %scan3A_175, %scan3A_216 : i32
          %mul3A_218 = arith.constant 16 : i32
          %mul3A_219 = arith.muli %scan3A_217, %mul3A_218 : i32
          %add3A_220 = arith.constant 0 : i32
          %add3A_221 = arith.addi %add3A_220, %mul3A_219 : i32
          %get3A_222 = arith.index_cast %add3A_221 : i32 to index
          %get3A_223 = tpu.vector_load %arg6[%get3A_222] {strides = array<i32>} : memref<16384xi32, #tpu.memory_space<vmem>>, vector<16xi32>,
          %gather3A_224 = tpu.vector_load_idx %arg5[%get3A_223] : memref<100000xf32, #tpu.memory_space<vmem>>[vector<16xi32>], vector<16xf32>,
          %mul3A_225 = arith.constant 16 : i32
          %mul3A_226 = arith.muli %scan3A_217, %mul3A_225 : i32
          %swap3A_227 = arith.constant 0 : i32
          %swap3A_228 = arith.index_cast %swap3A_227 : i32 to index
          %swap3A_229 = arith.index_cast %mul3A_226 : i32 to index
          %swap3A_230 = tpu.vector_load %arg7[%swap3A_228, %swap3A_229] {strides = array<i32>} : memref<2x4096xf32, #tpu.memory_space<vmem>>, vector<16xf32>,
          tpu.vector_store %arg7[%swap3A_228, %swap3A_229], %gather3A_224 {strides = array<i32>} : memref<2x4096xf32, #tpu.memory_space<vmem>>, vector<16xf32>,
          %scan3A_231 = arith.constant 4 : i32
          %scan3A_232 = arith.addi %scan3A_175, %scan3A_231 : i32
          %mul3A_233 = arith.constant 16 : i32
          %mul3A_234 = arith.muli %scan3A_232, %mul3A_233 : i32
          %add3A_235 = arith.constant 0 : i32
          %add3A_236 = arith.addi %add3A_235, %mul3A_234 : i32
          %get3A_237 = arith.index_cast %add3A_236 : i32 to index
          %get3A_238 = tpu.vector_load %arg6[%get3A_237] {strides = array<i32>} : memref<16384xi32, #tpu.memory_space<vmem>>, vector<16xi32>,
          %gather3A_239 = tpu.vector_load_idx %arg5[%get3A_238] : memref<100000xf32, #tpu.memory_space<vmem>>[vector<16xi32>], vector<16xf32>,
          %mul3A_240 = arith.constant 16 : i32
          %mul3A_241 = arith.muli %scan3A_232, %mul3A_240 : i32
          %swap3A_242 = arith.constant 0 : i32
          %swap3A_243 = arith.index_cast %swap3A_242 : i32 to index
          %swap3A_244 = arith.index_cast %mul3A_241 : i32 to index
          %swap3A_245 = tpu.vector_load %arg7[%swap3A_243, %swap3A_244] {strides = array<i32>} : memref<2x4096xf32, #tpu.memory_space<vmem>>, vector<16xf32>,
          tpu.vector_store %arg7[%swap3A_243, %swap3A_244], %gather3A_239 {strides = array<i32>} : memref<2x4096xf32, #tpu.memory_space<vmem>>, vector<16xf32>,
          %scan3A_246 = arith.constant 5 : i32
          %scan3A_247 = arith.addi %scan3A_175, %scan3A_246 : i32
          %mul3A_248 = arith.constant 16 : i32
          %mul3A_249 = arith.muli %scan3A_247, %mul3A_248 : i32
          %add3A_250 = arith.constant 0 : i32
          %add3A_251 = arith.addi %add3A_250, %mul3A_249 : i32
          %get3A_252 = arith.index_cast %add3A_251 : i32 to index
          %get3A_253 = tpu.vector_load %arg6[%get3A_252] {strides = array<i32>} : memref<16384xi32, #tpu.memory_space<vmem>>, vector<16xi32>,
          %gather3A_254 = tpu.vector_load_idx %arg5[%get3A_253] : memref<100000xf32, #tpu.memory_space<vmem>>[vector<16xi32>], vector<16xf32>,
          %mul3A_255 = arith.constant 16 : i32
          %mul3A_256 = arith.muli %scan3A_247, %mul3A_255 : i32
          %swap3A_257 = arith.constant 0 : i32
          %swap3A_258 = arith.index_cast %swap3A_257 : i32 to index
          %swap3A_259 = arith.index_cast %mul3A_256 : i32 to index
          %swap3A_260 = tpu.vector_load %arg7[%swap3A_258, %swap3A_259] {strides = array<i32>} : memref<2x4096xf32, #tpu.memory_space<vmem>>, vector<16xf32>,
          tpu.vector_store %arg7[%swap3A_258, %swap3A_259], %gather3A_254 {strides = array<i32>} : memref<2x4096xf32, #tpu.memory_space<vmem>>, vector<16xf32>,
          %scan3A_261 = arith.constant 6 : i32
          %scan3A_262 = arith.addi %scan3A_175, %scan3A_261 : i32
          %mul3A_263 = arith.constant 16 : i32
          %mul3A_264 = arith.muli %scan3A_262, %mul3A_263 : i32
          %add3A_265 = arith.constant 0 : i32
          %add3A_266 = arith.addi %add3A_265, %mul3A_264 : i32
          %get3A_267 = arith.index_cast %add3A_266 : i32 to index
          %get3A_268 = tpu.vector_load %arg6[%get3A_267] {strides = array<i32>} : memref<16384xi32, #tpu.memory_space<vmem>>, vector<16xi32>,
          %gather3A_269 = tpu.vector_load_idx %arg5[%get3A_268] : memref<100000xf32, #tpu.memory_space<vmem>>[vector<16xi32>], vector<16xf32>,
          %mul3A_270 = arith.constant 16 : i32
          %mul3A_271 = arith.muli %scan3A_262, %mul3A_270 : i32
          %swap3A_272 = arith.constant 0 : i32
          %swap3A_273 = arith.index_cast %swap3A_272 : i32 to index
          %swap3A_274 = arith.index_cast %mul3A_271 : i32 to index
          %swap3A_275 = tpu.vector_load %arg7[%swap3A_273, %swap3A_274] {strides = array<i32>} : memref<2x4096xf32, #tpu.memory_space<vmem>>, vector<16xf32>,
          tpu.vector_store %arg7[%swap3A_273, %swap3A_274], %gather3A_269 {strides = array<i32>} : memref<2x4096xf32, #tpu.memory_space<vmem>>, vector<16xf32>,
          %scan3A_276 = arith.constant 7 : i32
          %scan3A_277 = arith.addi %scan3A_175, %scan3A_276 : i32
          %mul3A_278 = arith.constant 16 : i32
          %mul3A_279 = arith.muli %scan3A_277, %mul3A_278 : i32
          %add3A_280 = arith.constant 0 : i32
          %add3A_281 = arith.addi %add3A_280, %mul3A_279 : i32
          %get3A_282 = arith.index_cast %add3A_281 : i32 to index
          %get3A_283 = tpu.vector_load %arg6[%get3A_282] {strides = array<i32>} : memref<16384xi32, #tpu.memory_space<vmem>>, vector<16xi32>,
          %gather3A_284 = tpu.vector_load_idx %arg5[%get3A_283] : memref<100000xf32, #tpu.memory_space<vmem>>[vector<16xi32>], vector<16xf32>,
          %mul3A_285 = arith.constant 16 : i32
          %mul3A_286 = arith.muli %scan3A_277, %mul3A_285 : i32
          %swap3A_287 = arith.constant 0 : i32
          %swap3A_288 = arith.index_cast %swap3A_287 : i32 to index
          %swap3A_289 = arith.index_cast %mul3A_286 : i32 to index
          %swap3A_290 = tpu.vector_load %arg7[%swap3A_288, %swap3A_289] {strides = array<i32>} : memref<2x4096xf32, #tpu.memory_space<vmem>>, vector<16xf32>,
          tpu.vector_store %arg7[%swap3A_288, %swap3A_289], %gather3A_284 {strides = array<i32>} : memref<2x4096xf32, #tpu.memory_space<vmem>>, vector<16xf32>,
          %scan3A_291 = arith.constant 8 : i32
          %scan3A_292 = arith.addi %scan3A_175, %scan3A_291 : i32
          %mul3A_293 = arith.constant 16 : i32
          %mul3A_294 = arith.muli %scan3A_292, %mul3A_293 : i32
          %add3A_295 = arith.constant 0 : i32
          %add3A_296 = arith.addi %add3A_295, %mul3A_294 : i32
          %get3A_297 = arith.index_cast %add3A_296 : i32 to index
          %get3A_298 = tpu.vector_load %arg6[%get3A_297] {strides = array<i32>} : memref<16384xi32, #tpu.memory_space<vmem>>, vector<16xi32>,
          %gather3A_299 = tpu.vector_load_idx %arg5[%get3A_298] : memref<100000xf32, #tpu.memory_space<vmem>>[vector<16xi32>], vector<16xf32>,
          %mul3A_300 = arith.constant 16 : i32
          %mul3A_301 = arith.muli %scan3A_292, %mul3A_300 : i32
          %swap3A_302 = arith.constant 0 : i32
          %swap3A_303 = arith.index_cast %swap3A_302 : i32 to index
          %swap3A_304 = arith.index_cast %mul3A_301 : i32 to index
          %swap3A_305 = tpu.vector_load %arg7[%swap3A_303, %swap3A_304] {strides = array<i32>} : memref<2x4096xf32, #tpu.memory_space<vmem>>, vector<16xf32>,
          tpu.vector_store %arg7[%swap3A_303, %swap3A_304], %gather3A_299 {strides = array<i32>} : memref<2x4096xf32, #tpu.memory_space<vmem>>, vector<16xf32>,
          %scan3A_306 = arith.constant 9 : i32
          %scan3A_307 = arith.addi %scan3A_175, %scan3A_306 : i32
          %mul3A_308 = arith.constant 16 : i32
          %mul3A_309 = arith.muli %scan3A_307, %mul3A_308 : i32
          %add3A_310 = arith.constant 0 : i32
          %add3A_311 = arith.addi %add3A_310, %mul3A_309 : i32
          %get3A_312 = arith.index_cast %add3A_311 : i32 to index
          %get3A_313 = tpu.vector_load %arg6[%get3A_312] {strides = array<i32>} : memref<16384xi32, #tpu.memory_space<vmem>>, vector<16xi32>,
          %gather3A_314 = tpu.vector_load_idx %arg5[%get3A_313] : memref<100000xf32, #tpu.memory_space<vmem>>[vector<16xi32>], vector<16xf32>,
          %mul3A_315 = arith.constant 16 : i32
          %mul3A_316 = arith.muli %scan3A_307, %mul3A_315 : i32
          %swap3A_317 = arith.constant 0 : i32
          %swap3A_318 = arith.index_cast %swap3A_317 : i32 to index
          %swap3A_319 = arith.index_cast %mul3A_316 : i32 to index
          %swap3A_320 = tpu.vector_load %arg7[%swap3A_318, %swap3A_319] {strides = array<i32>} : memref<2x4096xf32, #tpu.memory_space<vmem>>, vector<16xf32>,
          tpu.vector_store %arg7[%swap3A_318, %swap3A_319], %gather3A_314 {strides = array<i32>} : memref<2x4096xf32, #tpu.memory_space<vmem>>, vector<16xf32>,
          %scan3A_321 = arith.constant 10 : i32
          %scan3A_322 = arith.addi %scan3A_175, %scan3A_321 : i32
          %mul3A_323 = arith.constant 16 : i32
          %mul3A_324 = arith.muli %scan3A_322, %mul3A_323 : i32
          %add3A_325 = arith.constant 0 : i32
          %add3A_326 = arith.addi %add3A_325, %mul3A_324 : i32
          %get3A_327 = arith.index_cast %add3A_326 : i32 to index
          %get3A_328 = tpu.vector_load %arg6[%get3A_327] {strides = array<i32>} : memref<16384xi32, #tpu.memory_space<vmem>>, vector<16xi32>,
          %gather3A_329 = tpu.vector_load_idx %arg5[%get3A_328] : memref<100000xf32, #tpu.memory_space<vmem>>[vector<16xi32>], vector<16xf32>,
          %mul3A_330 = arith.constant 16 : i32
          %mul3A_331 = arith.muli %scan3A_322, %mul3A_330 : i32
          %swap3A_332 = arith.constant 0 : i32
          %swap3A_333 = arith.index_cast %swap3A_332 : i32 to index
          %swap3A_334 = arith.index_cast %mul3A_331 : i32 to index
          %swap3A_335 = tpu.vector_load %arg7[%swap3A_333, %swap3A_334] {strides = array<i32>} : memref<2x4096xf32, #tpu.memory_space<vmem>>, vector<16xf32>,
          tpu.vector_store %arg7[%swap3A_333, %swap3A_334], %gather3A_329 {strides = array<i32>} : memref<2x4096xf32, #tpu.memory_space<vmem>>, vector<16xf32>,
          %scan3A_336 = arith.constant 11 : i32
          %scan3A_337 = arith.addi %scan3A_175, %scan3A_336 : i32
          %mul3A_338 = arith.constant 16 : i32
          %mul3A_339 = arith.muli %scan3A_337, %mul3A_338 : i32
          %add3A_340 = arith.constant 0 : i32
          %add3A_341 = arith.addi %add3A_340, %mul3A_339 : i32
          %get3A_342 = arith.index_cast %add3A_341 : i32 to index
          %get3A_343 = tpu.vector_load %arg6[%get3A_342] {strides = array<i32>} : memref<16384xi32, #tpu.memory_space<vmem>>, vector<16xi32>,
          %gather3A_344 = tpu.vector_load_idx %arg5[%get3A_343] : memref<100000xf32, #tpu.memory_space<vmem>>[vector<16xi32>], vector<16xf32>,
          %mul3A_345 = arith.constant 16 : i32
          %mul3A_346 = arith.muli %scan3A_337, %mul3A_345 : i32
          %swap3A_347 = arith.constant 0 : i32
          %swap3A_348 = arith.index_cast %swap3A_347 : i32 to index
          %swap3A_349 = arith.index_cast %mul3A_346 : i32 to index
          %swap3A_350 = tpu.vector_load %arg7[%swap3A_348, %swap3A_349] {strides = array<i32>} : memref<2x4096xf32, #tpu.memory_space<vmem>>, vector<16xf32>,
          tpu.vector_store %arg7[%swap3A_348, %swap3A_349], %gather3A_344 {strides = array<i32>} : memref<2x4096xf32, #tpu.memory_space<vmem>>, vector<16xf32>,
          %scan3A_351 = arith.constant 12 : i32
          %scan3A_352 = arith.addi %scan3A_175, %scan3A_351 : i32
          %mul3A_353 = arith.constant 16 : i32
          %mul3A_354 = arith.muli %scan3A_352, %mul3A_353 : i32
          %add3A_355 = arith.constant 0 : i32
          %add3A_356 = arith.addi %add3A_355, %mul3A_354 : i32
          %get3A_357 = arith.index_cast %add3A_356 : i32 to index
          %get3A_358 = tpu.vector_load %arg6[%get3A_357] {strides = array<i32>} : memref<16384xi32, #tpu.memory_space<vmem>>, vector<16xi32>,
          %gather3A_359 = tpu.vector_load_idx %arg5[%get3A_358] : memref<100000xf32, #tpu.memory_space<vmem>>[vector<16xi32>], vector<16xf32>,
          %mul3A_360 = arith.constant 16 : i32
          %mul3A_361 = arith.muli %scan3A_352, %mul3A_360 : i32
          %swap3A_362 = arith.constant 0 : i32
          %swap3A_363 = arith.index_cast %swap3A_362 : i32 to index
          %swap3A_364 = arith.index_cast %mul3A_361 : i32 to index
          %swap3A_365 = tpu.vector_load %arg7[%swap3A_363, %swap3A_364] {strides = array<i32>} : memref<2x4096xf32, #tpu.memory_space<vmem>>, vector<16xf32>,
          tpu.vector_store %arg7[%swap3A_363, %swap3A_364], %gather3A_359 {strides = array<i32>} : memref<2x4096xf32, #tpu.memory_space<vmem>>, vector<16xf32>,
          %scan3A_366 = arith.constant 13 : i32
          %scan3A_367 = arith.addi %scan3A_175, %scan3A_366 : i32
          %mul3A_368 = arith.constant 16 : i32
          %mul3A_369 = arith.muli %scan3A_367, %mul3A_368 : i32
          %add3A_370 = arith.constant 0 : i32
          %add3A_371 = arith.addi %add3A_370, %mul3A_369 : i32
          %get3A_372 = arith.index_cast %add3A_371 : i32 to index
          %get3A_373 = tpu.vector_load %arg6[%get3A_372] {strides = array<i32>} : memref<16384xi32, #tpu.memory_space<vmem>>, vector<16xi32>,
          %gather3A_374 = tpu.vector_load_idx %arg5[%get3A_373] : memref<100000xf32, #tpu.memory_space<vmem>>[vector<16xi32>], vector<16xf32>,
          %mul3A_375 = arith.constant 16 : i32
          %mul3A_376 = arith.muli %scan3A_367, %mul3A_375 : i32
          %swap3A_377 = arith.constant 0 : i32
          %swap3A_378 = arith.index_cast %swap3A_377 : i32 to index
          %swap3A_379 = arith.index_cast %mul3A_376 : i32 to index
          %swap3A_380 = tpu.vector_load %arg7[%swap3A_378, %swap3A_379] {strides = array<i32>} : memref<2x4096xf32, #tpu.memory_space<vmem>>, vector<16xf32>,
          tpu.vector_store %arg7[%swap3A_378, %swap3A_379], %gather3A_374 {strides = array<i32>} : memref<2x4096xf32, #tpu.memory_space<vmem>>, vector<16xf32>,
          %scan3A_381 = arith.constant 14 : i32
          %scan3A_382 = arith.addi %scan3A_175, %scan3A_381 : i32
          %mul3A_383 = arith.constant 16 : i32
          %mul3A_384 = arith.muli %scan3A_382, %mul3A_383 : i32
          %add3A_385 = arith.constant 0 : i32
          %add3A_386 = arith.addi %add3A_385, %mul3A_384 : i32
          %get3A_387 = arith.index_cast %add3A_386 : i32 to index
          %get3A_388 = tpu.vector_load %arg6[%get3A_387] {strides = array<i32>} : memref<16384xi32, #tpu.memory_space<vmem>>, vector<16xi32>,
          %gather3A_389 = tpu.vector_load_idx %arg5[%get3A_388] : memref<100000xf32, #tpu.memory_space<vmem>>[vector<16xi32>], vector<16xf32>,
          %mul3A_390 = arith.constant 16 : i32
          %mul3A_391 = arith.muli %scan3A_382, %mul3A_390 : i32
          %swap3A_392 = arith.constant 0 : i32
          %swap3A_393 = arith.index_cast %swap3A_392 : i32 to index
          %swap3A_394 = arith.index_cast %mul3A_391 : i32 to index
          %swap3A_395 = tpu.vector_load %arg7[%swap3A_393, %swap3A_394] {strides = array<i32>} : memref<2x4096xf32, #tpu.memory_space<vmem>>, vector<16xf32>,
          tpu.vector_store %arg7[%swap3A_393, %swap3A_394], %gather3A_389 {strides = array<i32>} : memref<2x4096xf32, #tpu.memory_space<vmem>>, vector<16xf32>,
          %scan3A_396 = arith.constant 15 : i32
          %scan3A_397 = arith.addi %scan3A_175, %scan3A_396 : i32
          %mul3A_398 = arith.constant 16 : i32
          %mul3A_399 = arith.muli %scan3A_397, %mul3A_398 : i32
          %add3A_400 = arith.constant 0 : i32
          %add3A_401 = arith.addi %add3A_400, %mul3A_399 : i32
          %get3A_402 = arith.index_cast %add3A_401 : i32 to index
          %get3A_403 = tpu.vector_load %arg6[%get3A_402] {strides = array<i32>} : memref<16384xi32, #tpu.memory_space<vmem>>, vector<16xi32>,
          %gather3A_404 = tpu.vector_load_idx %arg5[%get3A_403] : memref<100000xf32, #tpu.memory_space<vmem>>[vector<16xi32>], vector<16xf32>,
          %mul3A_405 = arith.constant 16 : i32
          %mul3A_406 = arith.muli %scan3A_397, %mul3A_405 : i32
          %swap3A_407 = arith.constant 0 : i32
          %swap3A_408 = arith.index_cast %swap3A_407 : i32 to index
          %swap3A_409 = arith.index_cast %mul3A_406 : i32 to index
          %swap3A_410 = tpu.vector_load %arg7[%swap3A_408, %swap3A_409] {strides = array<i32>} : memref<2x4096xf32, #tpu.memory_space<vmem>>, vector<16xf32>,
          tpu.vector_store %arg7[%swap3A_408, %swap3A_409], %gather3A_404 {strides = array<i32>} : memref<2x4096xf32, #tpu.memory_space<vmem>>, vector<16xf32>,
        }
        %scan3A_52 = arith.constant 256 : i32
        %dma_start3A_53 = arith.constant 0 : i32
        %dma_start3A_54 = arith.constant 0 : i32
        %dma_start3A_55 = tpu.memref_slice %arg7[%dma_start3A_53, %dma_start3A_54] : memref<2x4096xf32, #tpu.memory_space<vmem>> -> memref<1x4096xf32, #tpu.memory_space<vmem>>
        %dma_start3A_56 = tpu.memref_squeeze %dma_start3A_55 : memref<1x4096xf32, #tpu.memory_space<vmem>> -> memref<4096xf32, #tpu.memory_space<vmem>>
        %dma_start3A_57 = arith.constant 0 : i32
        %dma_start3A_58 = tpu.memref_slice %arg4[%add3A_11, %dma_start3A_57] : memref<1300x16384xf32, #tpu.memory_space<hbm>> -> memref<1x4096xf32, #tpu.memory_space<hbm>>
        %dma_start3A_59 = tpu.memref_squeeze %dma_start3A_58 : memref<1x4096xf32, #tpu.memory_space<hbm>> -> memref<4096xf32, #tpu.memory_space<hbm>>
        %dma_start3A_60 = arith.constant 0 : i32
        %dma_start3A_61 = tpu.memref_slice %arg4[%add3A_11, %dma_start3A_60] : memref<1300x16384xf32, #tpu.memory_space<hbm>> -> memref<1x4096xf32, #tpu.memory_space<hbm>>
        %dma_start3A_62 = tpu.memref_squeeze %dma_start3A_61 : memref<1x4096xf32, #tpu.memory_space<hbm>> -> memref<4096xf32, #tpu.memory_space<hbm>>
        %dma_start3A_63 = arith.constant 0 : i32
        %dma_start3A_64 = tpu.memref_slice %arg7[%dma_start3A_53, %dma_start3A_63] : memref<2x4096xf32, #tpu.memory_space<vmem>> -> memref<1x4096xf32, #tpu.memory_space<vmem>>
        %dma_start3A_65 = tpu.memref_squeeze %dma_start3A_64 : memref<1x4096xf32, #tpu.memory_space<vmem>> -> memref<4096xf32, #tpu.memory_space<vmem>>
        tpu.enqueue_dma source(%dma_start3A_65 : memref<4096xf32, #tpu.memory_space<vmem>>) target(%dma_start3A_62 : memref<4096xf32, #tpu.memory_space<hbm>>) target_semaphore(%arg9 : memref<!tpu.dma_semaphore, #tpu.memory_space<semaphore_mem>>)
        %scan3A_66 = arith.constant 0 : i32
        %scan3A_67 = arith.constant 0 : i32
        %scan3A_68 = arith.constant 256 : i32
        %scan3A_69 = arith.addi %scan3A_67, %scan3A_68 : i32
        %scan3A_70 = arith.constant 16 : i32
        scf.for %scan3A_175 = %scan3A_67 to %scan3A_69 step %scan3A_70  : i32 {
          %mul3A_176 = arith.constant 16 : i32
          %mul3A_177 = arith.muli %scan3A_175, %mul3A_176 : i32
          %add3A_178 = arith.constant 4096 : i32
          %add3A_179 = arith.addi %add3A_178, %mul3A_177 : i32
          %get3A = arith.index_cast %add3A_179 : i32 to index
          %get3A_180 = tpu.vector_load %arg6[%get3A] {strides = array<i32>} : memref<16384xi32, #tpu.memory_space<vmem>>, vector<16xi32>,
          %gather3A = tpu.vector_load_idx %arg5[%get3A_180] : memref<100000xf32, #tpu.memory_space<vmem>>[vector<16xi32>], vector<16xf32>,
          %mul3A_181 = arith.constant 16 : i32
          %mul3A_182 = arith.muli %scan3A_175, %mul3A_181 : i32
          %swap3A = arith.constant 1 : i32
          %swap3A_183 = arith.index_cast %swap3A : i32 to index
          %swap3A_184 = arith.index_cast %mul3A_182 : i32 to index
          %swap3A_185 = tpu.vector_load %arg7[%swap3A_183, %swap3A_184] {strides = array<i32>} : memref<2x4096xf32, #tpu.memory_space<vmem>>, vector<16xf32>,
          tpu.vector_store %arg7[%swap3A_183, %swap3A_184], %gather3A {strides = array<i32>} : memref<2x4096xf32, #tpu.memory_space<vmem>>, vector<16xf32>,
          %scan3A_186 = arith.constant 1 : i32
          %scan3A_187 = arith.addi %scan3A_175, %scan3A_186 : i32
          %mul3A_188 = arith.constant 16 : i32
          %mul3A_189 = arith.muli %scan3A_187, %mul3A_188 : i32
          %add3A_190 = arith.constant 4096 : i32
          %add3A_191 = arith.addi %add3A_190, %mul3A_189 : i32
          %get3A_192 = arith.index_cast %add3A_191 : i32 to index
          %get3A_193 = tpu.vector_load %arg6[%get3A_192] {strides = array<i32>} : memref<16384xi32, #tpu.memory_space<vmem>>, vector<16xi32>,
          %gather3A_194 = tpu.vector_load_idx %arg5[%get3A_193] : memref<100000xf32, #tpu.memory_space<vmem>>[vector<16xi32>], vector<16xf32>,
          %mul3A_195 = arith.constant 16 : i32
          %mul3A_196 = arith.muli %scan3A_187, %mul3A_195 : i32
          %swap3A_197 = arith.constant 1 : i32
          %swap3A_198 = arith.index_cast %swap3A_197 : i32 to index
          %swap3A_199 = arith.index_cast %mul3A_196 : i32 to index
          %swap3A_200 = tpu.vector_load %arg7[%swap3A_198, %swap3A_199] {strides = array<i32>} : memref<2x4096xf32, #tpu.memory_space<vmem>>, vector<16xf32>,
          tpu.vector_store %arg7[%swap3A_198, %swap3A_199], %gather3A_194 {strides = array<i32>} : memref<2x4096xf32, #tpu.memory_space<vmem>>, vector<16xf32>,
          %scan3A_201 = arith.constant 2 : i32
          %scan3A_202 = arith.addi %scan3A_175, %scan3A_201 : i32
          %mul3A_203 = arith.constant 16 : i32
          %mul3A_204 = arith.muli %scan3A_202, %mul3A_203 : i32
          %add3A_205 = arith.constant 4096 : i32
          %add3A_206 = arith.addi %add3A_205, %mul3A_204 : i32
          %get3A_207 = arith.index_cast %add3A_206 : i32 to index
          %get3A_208 = tpu.vector_load %arg6[%get3A_207] {strides = array<i32>} : memref<16384xi32, #tpu.memory_space<vmem>>, vector<16xi32>,
          %gather3A_209 = tpu.vector_load_idx %arg5[%get3A_208] : memref<100000xf32, #tpu.memory_space<vmem>>[vector<16xi32>], vector<16xf32>,
          %mul3A_210 = arith.constant 16 : i32
          %mul3A_211 = arith.muli %scan3A_202, %mul3A_210 : i32
          %swap3A_212 = arith.constant 1 : i32
          %swap3A_213 = arith.index_cast %swap3A_212 : i32 to index
          %swap3A_214 = arith.index_cast %mul3A_211 : i32 to index
          %swap3A_215 = tpu.vector_load %arg7[%swap3A_213, %swap3A_214] {strides = array<i32>} : memref<2x4096xf32, #tpu.memory_space<vmem>>, vector<16xf32>,
          tpu.vector_store %arg7[%swap3A_213, %swap3A_214], %gather3A_209 {strides = array<i32>} : memref<2x4096xf32, #tpu.memory_space<vmem>>, vector<16xf32>,
          %scan3A_216 = arith.constant 3 : i32
          %scan3A_217 = arith.addi %scan3A_175, %scan3A_216 : i32
          %mul3A_218 = arith.constant 16 : i32
          %mul3A_219 = arith.muli %scan3A_217, %mul3A_218 : i32
          %add3A_220 = arith.constant 4096 : i32
          %add3A_221 = arith.addi %add3A_220, %mul3A_219 : i32
          %get3A_222 = arith.index_cast %add3A_221 : i32 to index
          %get3A_223 = tpu.vector_load %arg6[%get3A_222] {strides = array<i32>} : memref<16384xi32, #tpu.memory_space<vmem>>, vector<16xi32>,
          %gather3A_224 = tpu.vector_load_idx %arg5[%get3A_223] : memref<100000xf32, #tpu.memory_space<vmem>>[vector<16xi32>], vector<16xf32>,
          %mul3A_225 = arith.constant 16 : i32
          %mul3A_226 = arith.muli %scan3A_217, %mul3A_225 : i32
          %swap3A_227 = arith.constant 1 : i32
          %swap3A_228 = arith.index_cast %swap3A_227 : i32 to index
          %swap3A_229 = arith.index_cast %mul3A_226 : i32 to index
          %swap3A_230 = tpu.vector_load %arg7[%swap3A_228, %swap3A_229] {strides = array<i32>} : memref<2x4096xf32, #tpu.memory_space<vmem>>, vector<16xf32>,
          tpu.vector_store %arg7[%swap3A_228, %swap3A_229], %gather3A_224 {strides = array<i32>} : memref<2x4096xf32, #tpu.memory_space<vmem>>, vector<16xf32>,
          %scan3A_231 = arith.constant 4 : i32
          %scan3A_232 = arith.addi %scan3A_175, %scan3A_231 : i32
          %mul3A_233 = arith.constant 16 : i32
          %mul3A_234 = arith.muli %scan3A_232, %mul3A_233 : i32
          %add3A_235 = arith.constant 4096 : i32
          %add3A_236 = arith.addi %add3A_235, %mul3A_234 : i32
          %get3A_237 = arith.index_cast %add3A_236 : i32 to index
          %get3A_238 = tpu.vector_load %arg6[%get3A_237] {strides = array<i32>} : memref<16384xi32, #tpu.memory_space<vmem>>, vector<16xi32>,
          %gather3A_239 = tpu.vector_load_idx %arg5[%get3A_238] : memref<100000xf32, #tpu.memory_space<vmem>>[vector<16xi32>], vector<16xf32>,
          %mul3A_240 = arith.constant 16 : i32
          %mul3A_241 = arith.muli %scan3A_232, %mul3A_240 : i32
          %swap3A_242 = arith.constant 1 : i32
          %swap3A_243 = arith.index_cast %swap3A_242 : i32 to index
          %swap3A_244 = arith.index_cast %mul3A_241 : i32 to index
          %swap3A_245 = tpu.vector_load %arg7[%swap3A_243, %swap3A_244] {strides = array<i32>} : memref<2x4096xf32, #tpu.memory_space<vmem>>, vector<16xf32>,
          tpu.vector_store %arg7[%swap3A_243, %swap3A_244], %gather3A_239 {strides = array<i32>} : memref<2x4096xf32, #tpu.memory_space<vmem>>, vector<16xf32>,
          %scan3A_246 = arith.constant 5 : i32
          %scan3A_247 = arith.addi %scan3A_175, %scan3A_246 : i32
          %mul3A_248 = arith.constant 16 : i32
          %mul3A_249 = arith.muli %scan3A_247, %mul3A_248 : i32
          %add3A_250 = arith.constant 4096 : i32
          %add3A_251 = arith.addi %add3A_250, %mul3A_249 : i32
          %get3A_252 = arith.index_cast %add3A_251 : i32 to index
          %get3A_253 = tpu.vector_load %arg6[%get3A_252] {strides = array<i32>} : memref<16384xi32, #tpu.memory_space<vmem>>, vector<16xi32>,
          %gather3A_254 = tpu.vector_load_idx %arg5[%get3A_253] : memref<100000xf32, #tpu.memory_space<vmem>>[vector<16xi32>], vector<16xf32>,
          %mul3A_255 = arith.constant 16 : i32
          %mul3A_256 = arith.muli %scan3A_247, %mul3A_255 : i32
          %swap3A_257 = arith.constant 1 : i32
          %swap3A_258 = arith.index_cast %swap3A_257 : i32 to index
          %swap3A_259 = arith.index_cast %mul3A_256 : i32 to index
          %swap3A_260 = tpu.vector_load %arg7[%swap3A_258, %swap3A_259] {strides = array<i32>} : memref<2x4096xf32, #tpu.memory_space<vmem>>, vector<16xf32>,
          tpu.vector_store %arg7[%swap3A_258, %swap3A_259], %gather3A_254 {strides = array<i32>} : memref<2x4096xf32, #tpu.memory_space<vmem>>, vector<16xf32>,
          %scan3A_261 = arith.constant 6 : i32
          %scan3A_262 = arith.addi %scan3A_175, %scan3A_261 : i32
          %mul3A_263 = arith.constant 16 : i32
          %mul3A_264 = arith.muli %scan3A_262, %mul3A_263 : i32
          %add3A_265 = arith.constant 4096 : i32
          %add3A_266 = arith.addi %add3A_265, %mul3A_264 : i32
          %get3A_267 = arith.index_cast %add3A_266 : i32 to index
          %get3A_268 = tpu.vector_load %arg6[%get3A_267] {strides = array<i32>} : memref<16384xi32, #tpu.memory_space<vmem>>, vector<16xi32>,
          %gather3A_269 = tpu.vector_load_idx %arg5[%get3A_268] : memref<100000xf32, #tpu.memory_space<vmem>>[vector<16xi32>], vector<16xf32>,
          %mul3A_270 = arith.constant 16 : i32
          %mul3A_271 = arith.muli %scan3A_262, %mul3A_270 : i32
          %swap3A_272 = arith.constant 1 : i32
          %swap3A_273 = arith.index_cast %swap3A_272 : i32 to index
          %swap3A_274 = arith.index_cast %mul3A_271 : i32 to index
          %swap3A_275 = tpu.vector_load %arg7[%swap3A_273, %swap3A_274] {strides = array<i32>} : memref<2x4096xf32, #tpu.memory_space<vmem>>, vector<16xf32>,
          tpu.vector_store %arg7[%swap3A_273, %swap3A_274], %gather3A_269 {strides = array<i32>} : memref<2x4096xf32, #tpu.memory_space<vmem>>, vector<16xf32>,
          %scan3A_276 = arith.constant 7 : i32
          %scan3A_277 = arith.addi %scan3A_175, %scan3A_276 : i32
          %mul3A_278 = arith.constant 16 : i32
          %mul3A_279 = arith.muli %scan3A_277, %mul3A_278 : i32
          %add3A_280 = arith.constant 4096 : i32
          %add3A_281 = arith.addi %add3A_280, %mul3A_279 : i32
          %get3A_282 = arith.index_cast %add3A_281 : i32 to index
          %get3A_283 = tpu.vector_load %arg6[%get3A_282] {strides = array<i32>} : memref<16384xi32, #tpu.memory_space<vmem>>, vector<16xi32>,
          %gather3A_284 = tpu.vector_load_idx %arg5[%get3A_283] : memref<100000xf32, #tpu.memory_space<vmem>>[vector<16xi32>], vector<16xf32>,
          %mul3A_285 = arith.constant 16 : i32
          %mul3A_286 = arith.muli %scan3A_277, %mul3A_285 : i32
          %swap3A_287 = arith.constant 1 : i32
          %swap3A_288 = arith.index_cast %swap3A_287 : i32 to index
          %swap3A_289 = arith.index_cast %mul3A_286 : i32 to index
          %swap3A_290 = tpu.vector_load %arg7[%swap3A_288, %swap3A_289] {strides = array<i32>} : memref<2x4096xf32, #tpu.memory_space<vmem>>, vector<16xf32>,
          tpu.vector_store %arg7[%swap3A_288, %swap3A_289], %gather3A_284 {strides = array<i32>} : memref<2x4096xf32, #tpu.memory_space<vmem>>, vector<16xf32>,
          %scan3A_291 = arith.constant 8 : i32
          %scan3A_292 = arith.addi %scan3A_175, %scan3A_291 : i32
          %mul3A_293 = arith.constant 16 : i32
          %mul3A_294 = arith.muli %scan3A_292, %mul3A_293 : i32
          %add3A_295 = arith.constant 4096 : i32
          %add3A_296 = arith.addi %add3A_295, %mul3A_294 : i32
          %get3A_297 = arith.index_cast %add3A_296 : i32 to index
          %get3A_298 = tpu.vector_load %arg6[%get3A_297] {strides = array<i32>} : memref<16384xi32, #tpu.memory_space<vmem>>, vector<16xi32>,
          %gather3A_299 = tpu.vector_load_idx %arg5[%get3A_298] : memref<100000xf32, #tpu.memory_space<vmem>>[vector<16xi32>], vector<16xf32>,
          %mul3A_300 = arith.constant 16 : i32
          %mul3A_301 = arith.muli %scan3A_292, %mul3A_300 : i32
          %swap3A_302 = arith.constant 1 : i32
          %swap3A_303 = arith.index_cast %swap3A_302 : i32 to index
          %swap3A_304 = arith.index_cast %mul3A_301 : i32 to index
          %swap3A_305 = tpu.vector_load %arg7[%swap3A_303, %swap3A_304] {strides = array<i32>} : memref<2x4096xf32, #tpu.memory_space<vmem>>, vector<16xf32>,
          tpu.vector_store %arg7[%swap3A_303, %swap3A_304], %gather3A_299 {strides = array<i32>} : memref<2x4096xf32, #tpu.memory_space<vmem>>, vector<16xf32>,
          %scan3A_306 = arith.constant 9 : i32
          %scan3A_307 = arith.addi %scan3A_175, %scan3A_306 : i32
          %mul3A_308 = arith.constant 16 : i32
          %mul3A_309 = arith.muli %scan3A_307, %mul3A_308 : i32
          %add3A_310 = arith.constant 4096 : i32
          %add3A_311 = arith.addi %add3A_310, %mul3A_309 : i32
          %get3A_312 = arith.index_cast %add3A_311 : i32 to index
          %get3A_313 = tpu.vector_load %arg6[%get3A_312] {strides = array<i32>} : memref<16384xi32, #tpu.memory_space<vmem>>, vector<16xi32>,
          %gather3A_314 = tpu.vector_load_idx %arg5[%get3A_313] : memref<100000xf32, #tpu.memory_space<vmem>>[vector<16xi32>], vector<16xf32>,
          %mul3A_315 = arith.constant 16 : i32
          %mul3A_316 = arith.muli %scan3A_307, %mul3A_315 : i32
          %swap3A_317 = arith.constant 1 : i32
          %swap3A_318 = arith.index_cast %swap3A_317 : i32 to index
          %swap3A_319 = arith.index_cast %mul3A_316 : i32 to index
          %swap3A_320 = tpu.vector_load %arg7[%swap3A_318, %swap3A_319] {strides = array<i32>} : memref<2x4096xf32, #tpu.memory_space<vmem>>, vector<16xf32>,
          tpu.vector_store %arg7[%swap3A_318, %swap3A_319], %gather3A_314 {strides = array<i32>} : memref<2x4096xf32, #tpu.memory_space<vmem>>, vector<16xf32>,
          %scan3A_321 = arith.constant 10 : i32
          %scan3A_322 = arith.addi %scan3A_175, %scan3A_321 : i32
          %mul3A_323 = arith.constant 16 : i32
          %mul3A_324 = arith.muli %scan3A_322, %mul3A_323 : i32
          %add3A_325 = arith.constant 4096 : i32
          %add3A_326 = arith.addi %add3A_325, %mul3A_324 : i32
          %get3A_327 = arith.index_cast %add3A_326 : i32 to index
          %get3A_328 = tpu.vector_load %arg6[%get3A_327] {strides = array<i32>} : memref<16384xi32, #tpu.memory_space<vmem>>, vector<16xi32>,
          %gather3A_329 = tpu.vector_load_idx %arg5[%get3A_328] : memref<100000xf32, #tpu.memory_space<vmem>>[vector<16xi32>], vector<16xf32>,
          %mul3A_330 = arith.constant 16 : i32
          %mul3A_331 = arith.muli %scan3A_322, %mul3A_330 : i32
          %swap3A_332 = arith.constant 1 : i32
          %swap3A_333 = arith.index_cast %swap3A_332 : i32 to index
          %swap3A_334 = arith.index_cast %mul3A_331 : i32 to index
          %swap3A_335 = tpu.vector_load %arg7[%swap3A_333, %swap3A_334] {strides = array<i32>} : memref<2x4096xf32, #tpu.memory_space<vmem>>, vector<16xf32>,
          tpu.vector_store %arg7[%swap3A_333, %swap3A_334], %gather3A_329 {strides = array<i32>} : memref<2x4096xf32, #tpu.memory_space<vmem>>, vector<16xf32>,
          %scan3A_336 = arith.constant 11 : i32
          %scan3A_337 = arith.addi %scan3A_175, %scan3A_336 : i32
          %mul3A_338 = arith.constant 16 : i32
          %mul3A_339 = arith.muli %scan3A_337, %mul3A_338 : i32
          %add3A_340 = arith.constant 4096 : i32
          %add3A_341 = arith.addi %add3A_340, %mul3A_339 : i32
          %get3A_342 = arith.index_cast %add3A_341 : i32 to index
          %get3A_343 = tpu.vector_load %arg6[%get3A_342] {strides = array<i32>} : memref<16384xi32, #tpu.memory_space<vmem>>, vector<16xi32>,
          %gather3A_344 = tpu.vector_load_idx %arg5[%get3A_343] : memref<100000xf32, #tpu.memory_space<vmem>>[vector<16xi32>], vector<16xf32>,
          %mul3A_345 = arith.constant 16 : i32
          %mul3A_346 = arith.muli %scan3A_337, %mul3A_345 : i32
          %swap3A_347 = arith.constant 1 : i32
          %swap3A_348 = arith.index_cast %swap3A_347 : i32 to index
          %swap3A_349 = arith.index_cast %mul3A_346 : i32 to index
          %swap3A_350 = tpu.vector_load %arg7[%swap3A_348, %swap3A_349] {strides = array<i32>} : memref<2x4096xf32, #tpu.memory_space<vmem>>, vector<16xf32>,
          tpu.vector_store %arg7[%swap3A_348, %swap3A_349], %gather3A_344 {strides = array<i32>} : memref<2x4096xf32, #tpu.memory_space<vmem>>, vector<16xf32>,
          %scan3A_351 = arith.constant 12 : i32
          %scan3A_352 = arith.addi %scan3A_175, %scan3A_351 : i32
          %mul3A_353 = arith.constant 16 : i32
          %mul3A_354 = arith.muli %scan3A_352, %mul3A_353 : i32
          %add3A_355 = arith.constant 4096 : i32
          %add3A_356 = arith.addi %add3A_355, %mul3A_354 : i32
          %get3A_357 = arith.index_cast %add3A_356 : i32 to index
          %get3A_358 = tpu.vector_load %arg6[%get3A_357] {strides = array<i32>} : memref<16384xi32, #tpu.memory_space<vmem>>, vector<16xi32>,
          %gather3A_359 = tpu.vector_load_idx %arg5[%get3A_358] : memref<100000xf32, #tpu.memory_space<vmem>>[vector<16xi32>], vector<16xf32>,
          %mul3A_360 = arith.constant 16 : i32
          %mul3A_361 = arith.muli %scan3A_352, %mul3A_360 : i32
          %swap3A_362 = arith.constant 1 : i32
          %swap3A_363 = arith.index_cast %swap3A_362 : i32 to index
          %swap3A_364 = arith.index_cast %mul3A_361 : i32 to index
          %swap3A_365 = tpu.vector_load %arg7[%swap3A_363, %swap3A_364] {strides = array<i32>} : memref<2x4096xf32, #tpu.memory_space<vmem>>, vector<16xf32>,
          tpu.vector_store %arg7[%swap3A_363, %swap3A_364], %gather3A_359 {strides = array<i32>} : memref<2x4096xf32, #tpu.memory_space<vmem>>, vector<16xf32>,
          %scan3A_366 = arith.constant 13 : i32
          %scan3A_367 = arith.addi %scan3A_175, %scan3A_366 : i32
          %mul3A_368 = arith.constant 16 : i32
          %mul3A_369 = arith.muli %scan3A_367, %mul3A_368 : i32
          %add3A_370 = arith.constant 4096 : i32
          %add3A_371 = arith.addi %add3A_370, %mul3A_369 : i32
          %get3A_372 = arith.index_cast %add3A_371 : i32 to index
          %get3A_373 = tpu.vector_load %arg6[%get3A_372] {strides = array<i32>} : memref<16384xi32, #tpu.memory_space<vmem>>, vector<16xi32>,
          %gather3A_374 = tpu.vector_load_idx %arg5[%get3A_373] : memref<100000xf32, #tpu.memory_space<vmem>>[vector<16xi32>], vector<16xf32>,
          %mul3A_375 = arith.constant 16 : i32
          %mul3A_376 = arith.muli %scan3A_367, %mul3A_375 : i32
          %swap3A_377 = arith.constant 1 : i32
          %swap3A_378 = arith.index_cast %swap3A_377 : i32 to index
          %swap3A_379 = arith.index_cast %mul3A_376 : i32 to index
          %swap3A_380 = tpu.vector_load %arg7[%swap3A_378, %swap3A_379] {strides = array<i32>} : memref<2x4096xf32, #tpu.memory_space<vmem>>, vector<16xf32>,
          tpu.vector_store %arg7[%swap3A_378, %swap3A_379], %gather3A_374 {strides = array<i32>} : memref<2x4096xf32, #tpu.memory_space<vmem>>, vector<16xf32>,
          %scan3A_381 = arith.constant 14 : i32
          %scan3A_382 = arith.addi %scan3A_175, %scan3A_381 : i32
          %mul3A_383 = arith.constant 16 : i32
          %mul3A_384 = arith.muli %scan3A_382, %mul3A_383 : i32
          %add3A_385 = arith.constant 4096 : i32
          %add3A_386 = arith.addi %add3A_385, %mul3A_384 : i32
          %get3A_387 = arith.index_cast %add3A_386 : i32 to index
          %get3A_388 = tpu.vector_load %arg6[%get3A_387] {strides = array<i32>} : memref<16384xi32, #tpu.memory_space<vmem>>, vector<16xi32>,
          %gather3A_389 = tpu.vector_load_idx %arg5[%get3A_388] : memref<100000xf32, #tpu.memory_space<vmem>>[vector<16xi32>], vector<16xf32>,
          %mul3A_390 = arith.constant 16 : i32
          %mul3A_391 = arith.muli %scan3A_382, %mul3A_390 : i32
          %swap3A_392 = arith.constant 1 : i32
          %swap3A_393 = arith.index_cast %swap3A_392 : i32 to index
          %swap3A_394 = arith.index_cast %mul3A_391 : i32 to index
          %swap3A_395 = tpu.vector_load %arg7[%swap3A_393, %swap3A_394] {strides = array<i32>} : memref<2x4096xf32, #tpu.memory_space<vmem>>, vector<16xf32>,
          tpu.vector_store %arg7[%swap3A_393, %swap3A_394], %gather3A_389 {strides = array<i32>} : memref<2x4096xf32, #tpu.memory_space<vmem>>, vector<16xf32>,
          %scan3A_396 = arith.constant 15 : i32
          %scan3A_397 = arith.addi %scan3A_175, %scan3A_396 : i32
          %mul3A_398 = arith.constant 16 : i32
          %mul3A_399 = arith.muli %scan3A_397, %mul3A_398 : i32
          %add3A_400 = arith.constant 4096 : i32
          %add3A_401 = arith.addi %add3A_400, %mul3A_399 : i32
          %get3A_402 = arith.index_cast %add3A_401 : i32 to index
          %get3A_403 = tpu.vector_load %arg6[%get3A_402] {strides = array<i32>} : memref<16384xi32, #tpu.memory_space<vmem>>, vector<16xi32>,
          %gather3A_404 = tpu.vector_load_idx %arg5[%get3A_403] : memref<100000xf32, #tpu.memory_space<vmem>>[vector<16xi32>], vector<16xf32>,
          %mul3A_405 = arith.constant 16 : i32
          %mul3A_406 = arith.muli %scan3A_397, %mul3A_405 : i32
          %swap3A_407 = arith.constant 1 : i32
          %swap3A_408 = arith.index_cast %swap3A_407 : i32 to index
          %swap3A_409 = arith.index_cast %mul3A_406 : i32 to index
          %swap3A_410 = tpu.vector_load %arg7[%swap3A_408, %swap3A_409] {strides = array<i32>} : memref<2x4096xf32, #tpu.memory_space<vmem>>, vector<16xf32>,
          tpu.vector_store %arg7[%swap3A_408, %swap3A_409], %gather3A_404 {strides = array<i32>} : memref<2x4096xf32, #tpu.memory_space<vmem>>, vector<16xf32>,
        }
        %scan3A_71 = arith.constant 256 : i32
        %dma_start3A_72 = arith.constant 1 : i32
        %dma_start3A_73 = arith.constant 0 : i32
        %dma_start3A_74 = tpu.memref_slice %arg7[%dma_start3A_72, %dma_start3A_73] : memref<2x4096xf32, #tpu.memory_space<vmem>> -> memref<1x4096xf32, #tpu.memory_space<vmem>>
        %dma_start3A_75 = tpu.memref_squeeze %dma_start3A_74 : memref<1x4096xf32, #tpu.memory_space<vmem>> -> memref<4096xf32, #tpu.memory_space<vmem>>
        %dma_start3A_76 = arith.constant 4096 : i32
        %dma_start3A_77 = tpu.memref_slice %arg4[%add3A_11, %dma_start3A_76] : memref<1300x16384xf32, #tpu.memory_space<hbm>> -> memref<1x4096xf32, #tpu.memory_space<hbm>>
        %dma_start3A_78 = tpu.memref_squeeze %dma_start3A_77 : memref<1x4096xf32, #tpu.memory_space<hbm>> -> memref<4096xf32, #tpu.memory_space<hbm>>
        %dma_start3A_79 = arith.constant 4096 : i32
        %dma_start3A_80 = tpu.memref_slice %arg4[%add3A_11, %dma_start3A_79] : memref<1300x16384xf32, #tpu.memory_space<hbm>> -> memref<1x4096xf32, #tpu.memory_space<hbm>>
        %dma_start3A_81 = tpu.memref_squeeze %dma_start3A_80 : memref<1x4096xf32, #tpu.memory_space<hbm>> -> memref<4096xf32, #tpu.memory_space<hbm>>
        %dma_start3A_82 = arith.constant 0 : i32
        %dma_start3A_83 = tpu.memref_slice %arg7[%dma_start3A_72, %dma_start3A_82] : memref<2x4096xf32, #tpu.memory_space<vmem>> -> memref<1x4096xf32, #tpu.memory_space<vmem>>
        %dma_start3A_84 = tpu.memref_squeeze %dma_start3A_83 : memref<1x4096xf32, #tpu.memory_space<vmem>> -> memref<4096xf32, #tpu.memory_space<vmem>>
        tpu.enqueue_dma source(%dma_start3A_84 : memref<4096xf32, #tpu.memory_space<vmem>>) target(%dma_start3A_81 : memref<4096xf32, #tpu.memory_space<hbm>>) target_semaphore(%arg9 : memref<!tpu.dma_semaphore, #tpu.memory_space<semaphore_mem>>)
        %dma_wait3A_85 = arith.constant 0 : i32
        %dma_wait3A_86 = arith.constant 0 : i32
        %dma_wait3A_87 = tpu.memref_slice %arg7[%dma_wait3A_85, %dma_wait3A_86] : memref<2x4096xf32, #tpu.memory_space<vmem>> -> memref<1x4096xf32, #tpu.memory_space<vmem>>
        %dma_wait3A_88 = tpu.memref_squeeze %dma_wait3A_87 : memref<1x4096xf32, #tpu.memory_space<vmem>> -> memref<4096xf32, #tpu.memory_space<vmem>>
        %dma_wait3A_89 = arith.constant 0 : i32
        %dma_wait3A_90 = tpu.memref_slice %arg4[%add3A_11, %dma_wait3A_89] : memref<1300x16384xf32, #tpu.memory_space<hbm>> -> memref<1x4096xf32, #tpu.memory_space<hbm>>
        %dma_wait3A_91 = tpu.memref_squeeze %dma_wait3A_90 : memref<1x4096xf32, #tpu.memory_space<hbm>> -> memref<4096xf32, #tpu.memory_space<hbm>>
        %dma_wait3A_92 = arith.constant 0 : i32
        %dma_wait3A_93 = tpu.memref_slice %arg4[%add3A_11, %dma_wait3A_92] : memref<1300x16384xf32, #tpu.memory_space<hbm>> -> memref<1x4096xf32, #tpu.memory_space<hbm>>
        %dma_wait3A_94 = tpu.memref_squeeze %dma_wait3A_93 : memref<1x4096xf32, #tpu.memory_space<hbm>> -> memref<4096xf32, #tpu.memory_space<hbm>>
        %dma_wait3A_95 = arith.constant 0 : i32
        %dma_wait3A_96 = tpu.memref_slice %arg7[%dma_wait3A_85, %dma_wait3A_95] : memref<2x4096xf32, #tpu.memory_space<vmem>> -> memref<1x4096xf32, #tpu.memory_space<vmem>>
        %dma_wait3A_97 = tpu.memref_squeeze %dma_wait3A_96 : memref<1x4096xf32, #tpu.memory_space<vmem>> -> memref<4096xf32, #tpu.memory_space<vmem>>
        tpu.wait_dma2 semaphore(%arg9 : memref<!tpu.dma_semaphore, #tpu.memory_space<semaphore_mem>>) src(%dma_wait3A_97 : memref<4096xf32, #tpu.memory_space<vmem>>) dst(%dma_wait3A_94 : memref<4096xf32, #tpu.memory_space<hbm>>)
        %scan3A_98 = arith.constant 0 : i32
        %scan3A_99 = arith.constant 0 : i32
        %scan3A_100 = arith.constant 256 : i32
        %scan3A_101 = arith.addi %scan3A_99, %scan3A_100 : i32
        %scan3A_102 = arith.constant 16 : i32
        scf.for %scan3A_175 = %scan3A_99 to %scan3A_101 step %scan3A_102  : i32 {
          %mul3A_176 = arith.constant 16 : i32
          %mul3A_177 = arith.muli %scan3A_175, %mul3A_176 : i32
          %add3A_178 = arith.constant 8192 : i32
          %add3A_179 = arith.addi %add3A_178, %mul3A_177 : i32
          %get3A = arith.index_cast %add3A_179 : i32 to index
          %get3A_180 = tpu.vector_load %arg6[%get3A] {strides = array<i32>} : memref<16384xi32, #tpu.memory_space<vmem>>, vector<16xi32>,
          %gather3A = tpu.vector_load_idx %arg5[%get3A_180] : memref<100000xf32, #tpu.memory_space<vmem>>[vector<16xi32>], vector<16xf32>,
          %mul3A_181 = arith.constant 16 : i32
          %mul3A_182 = arith.muli %scan3A_175, %mul3A_181 : i32
          %swap3A = arith.constant 0 : i32
          %swap3A_183 = arith.index_cast %swap3A : i32 to index
          %swap3A_184 = arith.index_cast %mul3A_182 : i32 to index
          %swap3A_185 = tpu.vector_load %arg7[%swap3A_183, %swap3A_184] {strides = array<i32>} : memref<2x4096xf32, #tpu.memory_space<vmem>>, vector<16xf32>,
          tpu.vector_store %arg7[%swap3A_183, %swap3A_184], %gather3A {strides = array<i32>} : memref<2x4096xf32, #tpu.memory_space<vmem>>, vector<16xf32>,
          %scan3A_186 = arith.constant 1 : i32
          %scan3A_187 = arith.addi %scan3A_175, %scan3A_186 : i32
          %mul3A_188 = arith.constant 16 : i32
          %mul3A_189 = arith.muli %scan3A_187, %mul3A_188 : i32
          %add3A_190 = arith.constant 8192 : i32
          %add3A_191 = arith.addi %add3A_190, %mul3A_189 : i32
          %get3A_192 = arith.index_cast %add3A_191 : i32 to index
          %get3A_193 = tpu.vector_load %arg6[%get3A_192] {strides = array<i32>} : memref<16384xi32, #tpu.memory_space<vmem>>, vector<16xi32>,
          %gather3A_194 = tpu.vector_load_idx %arg5[%get3A_193] : memref<100000xf32, #tpu.memory_space<vmem>>[vector<16xi32>], vector<16xf32>,
          %mul3A_195 = arith.constant 16 : i32
          %mul3A_196 = arith.muli %scan3A_187, %mul3A_195 : i32
          %swap3A_197 = arith.constant 0 : i32
          %swap3A_198 = arith.index_cast %swap3A_197 : i32 to index
          %swap3A_199 = arith.index_cast %mul3A_196 : i32 to index
          %swap3A_200 = tpu.vector_load %arg7[%swap3A_198, %swap3A_199] {strides = array<i32>} : memref<2x4096xf32, #tpu.memory_space<vmem>>, vector<16xf32>,
          tpu.vector_store %arg7[%swap3A_198, %swap3A_199], %gather3A_194 {strides = array<i32>} : memref<2x4096xf32, #tpu.memory_space<vmem>>, vector<16xf32>,
          %scan3A_201 = arith.constant 2 : i32
          %scan3A_202 = arith.addi %scan3A_175, %scan3A_201 : i32
          %mul3A_203 = arith.constant 16 : i32
          %mul3A_204 = arith.muli %scan3A_202, %mul3A_203 : i32
          %add3A_205 = arith.constant 8192 : i32
          %add3A_206 = arith.addi %add3A_205, %mul3A_204 : i32
          %get3A_207 = arith.index_cast %add3A_206 : i32 to index
          %get3A_208 = tpu.vector_load %arg6[%get3A_207] {strides = array<i32>} : memref<16384xi32, #tpu.memory_space<vmem>>, vector<16xi32>,
          %gather3A_209 = tpu.vector_load_idx %arg5[%get3A_208] : memref<100000xf32, #tpu.memory_space<vmem>>[vector<16xi32>], vector<16xf32>,
          %mul3A_210 = arith.constant 16 : i32
          %mul3A_211 = arith.muli %scan3A_202, %mul3A_210 : i32
          %swap3A_212 = arith.constant 0 : i32
          %swap3A_213 = arith.index_cast %swap3A_212 : i32 to index
          %swap3A_214 = arith.index_cast %mul3A_211 : i32 to index
          %swap3A_215 = tpu.vector_load %arg7[%swap3A_213, %swap3A_214] {strides = array<i32>} : memref<2x4096xf32, #tpu.memory_space<vmem>>, vector<16xf32>,
          tpu.vector_store %arg7[%swap3A_213, %swap3A_214], %gather3A_209 {strides = array<i32>} : memref<2x4096xf32, #tpu.memory_space<vmem>>, vector<16xf32>,
          %scan3A_216 = arith.constant 3 : i32
          %scan3A_217 = arith.addi %scan3A_175, %scan3A_216 : i32
          %mul3A_218 = arith.constant 16 : i32
          %mul3A_219 = arith.muli %scan3A_217, %mul3A_218 : i32
          %add3A_220 = arith.constant 8192 : i32
          %add3A_221 = arith.addi %add3A_220, %mul3A_219 : i32
          %get3A_222 = arith.index_cast %add3A_221 : i32 to index
          %get3A_223 = tpu.vector_load %arg6[%get3A_222] {strides = array<i32>} : memref<16384xi32, #tpu.memory_space<vmem>>, vector<16xi32>,
          %gather3A_224 = tpu.vector_load_idx %arg5[%get3A_223] : memref<100000xf32, #tpu.memory_space<vmem>>[vector<16xi32>], vector<16xf32>,
          %mul3A_225 = arith.constant 16 : i32
          %mul3A_226 = arith.muli %scan3A_217, %mul3A_225 : i32
          %swap3A_227 = arith.constant 0 : i32
          %swap3A_228 = arith.index_cast %swap3A_227 : i32 to index
          %swap3A_229 = arith.index_cast %mul3A_226 : i32 to index
          %swap3A_230 = tpu.vector_load %arg7[%swap3A_228, %swap3A_229] {strides = array<i32>} : memref<2x4096xf32, #tpu.memory_space<vmem>>, vector<16xf32>,
          tpu.vector_store %arg7[%swap3A_228, %swap3A_229], %gather3A_224 {strides = array<i32>} : memref<2x4096xf32, #tpu.memory_space<vmem>>, vector<16xf32>,
          %scan3A_231 = arith.constant 4 : i32
          %scan3A_232 = arith.addi %scan3A_175, %scan3A_231 : i32
          %mul3A_233 = arith.constant 16 : i32
          %mul3A_234 = arith.muli %scan3A_232, %mul3A_233 : i32
          %add3A_235 = arith.constant 8192 : i32
          %add3A_236 = arith.addi %add3A_235, %mul3A_234 : i32
          %get3A_237 = arith.index_cast %add3A_236 : i32 to index
          %get3A_238 = tpu.vector_load %arg6[%get3A_237] {strides = array<i32>} : memref<16384xi32, #tpu.memory_space<vmem>>, vector<16xi32>,
          %gather3A_239 = tpu.vector_load_idx %arg5[%get3A_238] : memref<100000xf32, #tpu.memory_space<vmem>>[vector<16xi32>], vector<16xf32>,
          %mul3A_240 = arith.constant 16 : i32
          %mul3A_241 = arith.muli %scan3A_232, %mul3A_240 : i32
          %swap3A_242 = arith.constant 0 : i32
          %swap3A_243 = arith.index_cast %swap3A_242 : i32 to index
          %swap3A_244 = arith.index_cast %mul3A_241 : i32 to index
          %swap3A_245 = tpu.vector_load %arg7[%swap3A_243, %swap3A_244] {strides = array<i32>} : memref<2x4096xf32, #tpu.memory_space<vmem>>, vector<16xf32>,
          tpu.vector_store %arg7[%swap3A_243, %swap3A_244], %gather3A_239 {strides = array<i32>} : memref<2x4096xf32, #tpu.memory_space<vmem>>, vector<16xf32>,
          %scan3A_246 = arith.constant 5 : i32
          %scan3A_247 = arith.addi %scan3A_175, %scan3A_246 : i32
          %mul3A_248 = arith.constant 16 : i32
          %mul3A_249 = arith.muli %scan3A_247, %mul3A_248 : i32
          %add3A_250 = arith.constant 8192 : i32
          %add3A_251 = arith.addi %add3A_250, %mul3A_249 : i32
          %get3A_252 = arith.index_cast %add3A_251 : i32 to index
          %get3A_253 = tpu.vector_load %arg6[%get3A_252] {strides = array<i32>} : memref<16384xi32, #tpu.memory_space<vmem>>, vector<16xi32>,
          %gather3A_254 = tpu.vector_load_idx %arg5[%get3A_253] : memref<100000xf32, #tpu.memory_space<vmem>>[vector<16xi32>], vector<16xf32>,
          %mul3A_255 = arith.constant 16 : i32
          %mul3A_256 = arith.muli %scan3A_247, %mul3A_255 : i32
          %swap3A_257 = arith.constant 0 : i32
          %swap3A_258 = arith.index_cast %swap3A_257 : i32 to index
          %swap3A_259 = arith.index_cast %mul3A_256 : i32 to index
          %swap3A_260 = tpu.vector_load %arg7[%swap3A_258, %swap3A_259] {strides = array<i32>} : memref<2x4096xf32, #tpu.memory_space<vmem>>, vector<16xf32>,
          tpu.vector_store %arg7[%swap3A_258, %swap3A_259], %gather3A_254 {strides = array<i32>} : memref<2x4096xf32, #tpu.memory_space<vmem>>, vector<16xf32>,
          %scan3A_261 = arith.constant 6 : i32
          %scan3A_262 = arith.addi %scan3A_175, %scan3A_261 : i32
          %mul3A_263 = arith.constant 16 : i32
          %mul3A_264 = arith.muli %scan3A_262, %mul3A_263 : i32
          %add3A_265 = arith.constant 8192 : i32
          %add3A_266 = arith.addi %add3A_265, %mul3A_264 : i32
          %get3A_267 = arith.index_cast %add3A_266 : i32 to index
          %get3A_268 = tpu.vector_load %arg6[%get3A_267] {strides = array<i32>} : memref<16384xi32, #tpu.memory_space<vmem>>, vector<16xi32>,
          %gather3A_269 = tpu.vector_load_idx %arg5[%get3A_268] : memref<100000xf32, #tpu.memory_space<vmem>>[vector<16xi32>], vector<16xf32>,
          %mul3A_270 = arith.constant 16 : i32
          %mul3A_271 = arith.muli %scan3A_262, %mul3A_270 : i32
          %swap3A_272 = arith.constant 0 : i32
          %swap3A_273 = arith.index_cast %swap3A_272 : i32 to index
          %swap3A_274 = arith.index_cast %mul3A_271 : i32 to index
          %swap3A_275 = tpu.vector_load %arg7[%swap3A_273, %swap3A_274] {strides = array<i32>} : memref<2x4096xf32, #tpu.memory_space<vmem>>, vector<16xf32>,
          tpu.vector_store %arg7[%swap3A_273, %swap3A_274], %gather3A_269 {strides = array<i32>} : memref<2x4096xf32, #tpu.memory_space<vmem>>, vector<16xf32>,
          %scan3A_276 = arith.constant 7 : i32
          %scan3A_277 = arith.addi %scan3A_175, %scan3A_276 : i32
          %mul3A_278 = arith.constant 16 : i32
          %mul3A_279 = arith.muli %scan3A_277, %mul3A_278 : i32
          %add3A_280 = arith.constant 8192 : i32
          %add3A_281 = arith.addi %add3A_280, %mul3A_279 : i32
          %get3A_282 = arith.index_cast %add3A_281 : i32 to index
          %get3A_283 = tpu.vector_load %arg6[%get3A_282] {strides = array<i32>} : memref<16384xi32, #tpu.memory_space<vmem>>, vector<16xi32>,
          %gather3A_284 = tpu.vector_load_idx %arg5[%get3A_283] : memref<100000xf32, #tpu.memory_space<vmem>>[vector<16xi32>], vector<16xf32>,
          %mul3A_285 = arith.constant 16 : i32
          %mul3A_286 = arith.muli %scan3A_277, %mul3A_285 : i32
          %swap3A_287 = arith.constant 0 : i32
          %swap3A_288 = arith.index_cast %swap3A_287 : i32 to index
          %swap3A_289 = arith.index_cast %mul3A_286 : i32 to index
          %swap3A_290 = tpu.vector_load %arg7[%swap3A_288, %swap3A_289] {strides = array<i32>} : memref<2x4096xf32, #tpu.memory_space<vmem>>, vector<16xf32>,
          tpu.vector_store %arg7[%swap3A_288, %swap3A_289], %gather3A_284 {strides = array<i32>} : memref<2x4096xf32, #tpu.memory_space<vmem>>, vector<16xf32>,
          %scan3A_291 = arith.constant 8 : i32
          %scan3A_292 = arith.addi %scan3A_175, %scan3A_291 : i32
          %mul3A_293 = arith.constant 16 : i32
          %mul3A_294 = arith.muli %scan3A_292, %mul3A_293 : i32
          %add3A_295 = arith.constant 8192 : i32
          %add3A_296 = arith.addi %add3A_295, %mul3A_294 : i32
          %get3A_297 = arith.index_cast %add3A_296 : i32 to index
          %get3A_298 = tpu.vector_load %arg6[%get3A_297] {strides = array<i32>} : memref<16384xi32, #tpu.memory_space<vmem>>, vector<16xi32>,
          %gather3A_299 = tpu.vector_load_idx %arg5[%get3A_298] : memref<100000xf32, #tpu.memory_space<vmem>>[vector<16xi32>], vector<16xf32>,
          %mul3A_300 = arith.constant 16 : i32
          %mul3A_301 = arith.muli %scan3A_292, %mul3A_300 : i32
          %swap3A_302 = arith.constant 0 : i32
          %swap3A_303 = arith.index_cast %swap3A_302 : i32 to index
          %swap3A_304 = arith.index_cast %mul3A_301 : i32 to index
          %swap3A_305 = tpu.vector_load %arg7[%swap3A_303, %swap3A_304] {strides = array<i32>} : memref<2x4096xf32, #tpu.memory_space<vmem>>, vector<16xf32>,
          tpu.vector_store %arg7[%swap3A_303, %swap3A_304], %gather3A_299 {strides = array<i32>} : memref<2x4096xf32, #tpu.memory_space<vmem>>, vector<16xf32>,
          %scan3A_306 = arith.constant 9 : i32
          %scan3A_307 = arith.addi %scan3A_175, %scan3A_306 : i32
          %mul3A_308 = arith.constant 16 : i32
          %mul3A_309 = arith.muli %scan3A_307, %mul3A_308 : i32
          %add3A_310 = arith.constant 8192 : i32
          %add3A_311 = arith.addi %add3A_310, %mul3A_309 : i32
          %get3A_312 = arith.index_cast %add3A_311 : i32 to index
          %get3A_313 = tpu.vector_load %arg6[%get3A_312] {strides = array<i32>} : memref<16384xi32, #tpu.memory_space<vmem>>, vector<16xi32>,
          %gather3A_314 = tpu.vector_load_idx %arg5[%get3A_313] : memref<100000xf32, #tpu.memory_space<vmem>>[vector<16xi32>], vector<16xf32>,
          %mul3A_315 = arith.constant 16 : i32
          %mul3A_316 = arith.muli %scan3A_307, %mul3A_315 : i32
          %swap3A_317 = arith.constant 0 : i32
          %swap3A_318 = arith.index_cast %swap3A_317 : i32 to index
          %swap3A_319 = arith.index_cast %mul3A_316 : i32 to index
          %swap3A_320 = tpu.vector_load %arg7[%swap3A_318, %swap3A_319] {strides = array<i32>} : memref<2x4096xf32, #tpu.memory_space<vmem>>, vector<16xf32>,
          tpu.vector_store %arg7[%swap3A_318, %swap3A_319], %gather3A_314 {strides = array<i32>} : memref<2x4096xf32, #tpu.memory_space<vmem>>, vector<16xf32>,
          %scan3A_321 = arith.constant 10 : i32
          %scan3A_322 = arith.addi %scan3A_175, %scan3A_321 : i32
          %mul3A_323 = arith.constant 16 : i32
          %mul3A_324 = arith.muli %scan3A_322, %mul3A_323 : i32
          %add3A_325 = arith.constant 8192 : i32
          %add3A_326 = arith.addi %add3A_325, %mul3A_324 : i32
          %get3A_327 = arith.index_cast %add3A_326 : i32 to index
          %get3A_328 = tpu.vector_load %arg6[%get3A_327] {strides = array<i32>} : memref<16384xi32, #tpu.memory_space<vmem>>, vector<16xi32>,
          %gather3A_329 = tpu.vector_load_idx %arg5[%get3A_328] : memref<100000xf32, #tpu.memory_space<vmem>>[vector<16xi32>], vector<16xf32>,
          %mul3A_330 = arith.constant 16 : i32
          %mul3A_331 = arith.muli %scan3A_322, %mul3A_330 : i32
          %swap3A_332 = arith.constant 0 : i32
          %swap3A_333 = arith.index_cast %swap3A_332 : i32 to index
          %swap3A_334 = arith.index_cast %mul3A_331 : i32 to index
          %swap3A_335 = tpu.vector_load %arg7[%swap3A_333, %swap3A_334] {strides = array<i32>} : memref<2x4096xf32, #tpu.memory_space<vmem>>, vector<16xf32>,
          tpu.vector_store %arg7[%swap3A_333, %swap3A_334], %gather3A_329 {strides = array<i32>} : memref<2x4096xf32, #tpu.memory_space<vmem>>, vector<16xf32>,
          %scan3A_336 = arith.constant 11 : i32
          %scan3A_337 = arith.addi %scan3A_175, %scan3A_336 : i32
          %mul3A_338 = arith.constant 16 : i32
          %mul3A_339 = arith.muli %scan3A_337, %mul3A_338 : i32
          %add3A_340 = arith.constant 8192 : i32
          %add3A_341 = arith.addi %add3A_340, %mul3A_339 : i32
          %get3A_342 = arith.index_cast %add3A_341 : i32 to index
          %get3A_343 = tpu.vector_load %arg6[%get3A_342] {strides = array<i32>} : memref<16384xi32, #tpu.memory_space<vmem>>, vector<16xi32>,
          %gather3A_344 = tpu.vector_load_idx %arg5[%get3A_343] : memref<100000xf32, #tpu.memory_space<vmem>>[vector<16xi32>], vector<16xf32>,
          %mul3A_345 = arith.constant 16 : i32
          %mul3A_346 = arith.muli %scan3A_337, %mul3A_345 : i32
          %swap3A_347 = arith.constant 0 : i32
          %swap3A_348 = arith.index_cast %swap3A_347 : i32 to index
          %swap3A_349 = arith.index_cast %mul3A_346 : i32 to index
          %swap3A_350 = tpu.vector_load %arg7[%swap3A_348, %swap3A_349] {strides = array<i32>} : memref<2x4096xf32, #tpu.memory_space<vmem>>, vector<16xf32>,
          tpu.vector_store %arg7[%swap3A_348, %swap3A_349], %gather3A_344 {strides = array<i32>} : memref<2x4096xf32, #tpu.memory_space<vmem>>, vector<16xf32>,
          %scan3A_351 = arith.constant 12 : i32
          %scan3A_352 = arith.addi %scan3A_175, %scan3A_351 : i32
          %mul3A_353 = arith.constant 16 : i32
          %mul3A_354 = arith.muli %scan3A_352, %mul3A_353 : i32
          %add3A_355 = arith.constant 8192 : i32
          %add3A_356 = arith.addi %add3A_355, %mul3A_354 : i32
          %get3A_357 = arith.index_cast %add3A_356 : i32 to index
          %get3A_358 = tpu.vector_load %arg6[%get3A_357] {strides = array<i32>} : memref<16384xi32, #tpu.memory_space<vmem>>, vector<16xi32>,
          %gather3A_359 = tpu.vector_load_idx %arg5[%get3A_358] : memref<100000xf32, #tpu.memory_space<vmem>>[vector<16xi32>], vector<16xf32>,
          %mul3A_360 = arith.constant 16 : i32
          %mul3A_361 = arith.muli %scan3A_352, %mul3A_360 : i32
          %swap3A_362 = arith.constant 0 : i32
          %swap3A_363 = arith.index_cast %swap3A_362 : i32 to index
          %swap3A_364 = arith.index_cast %mul3A_361 : i32 to index
          %swap3A_365 = tpu.vector_load %arg7[%swap3A_363, %swap3A_364] {strides = array<i32>} : memref<2x4096xf32, #tpu.memory_space<vmem>>, vector<16xf32>,
          tpu.vector_store %arg7[%swap3A_363, %swap3A_364], %gather3A_359 {strides = array<i32>} : memref<2x4096xf32, #tpu.memory_space<vmem>>, vector<16xf32>,
          %scan3A_366 = arith.constant 13 : i32
          %scan3A_367 = arith.addi %scan3A_175, %scan3A_366 : i32
          %mul3A_368 = arith.constant 16 : i32
          %mul3A_369 = arith.muli %scan3A_367, %mul3A_368 : i32
          %add3A_370 = arith.constant 8192 : i32
          %add3A_371 = arith.addi %add3A_370, %mul3A_369 : i32
          %get3A_372 = arith.index_cast %add3A_371 : i32 to index
          %get3A_373 = tpu.vector_load %arg6[%get3A_372] {strides = array<i32>} : memref<16384xi32, #tpu.memory_space<vmem>>, vector<16xi32>,
          %gather3A_374 = tpu.vector_load_idx %arg5[%get3A_373] : memref<100000xf32, #tpu.memory_space<vmem>>[vector<16xi32>], vector<16xf32>,
          %mul3A_375 = arith.constant 16 : i32
          %mul3A_376 = arith.muli %scan3A_367, %mul3A_375 : i32
          %swap3A_377 = arith.constant 0 : i32
          %swap3A_378 = arith.index_cast %swap3A_377 : i32 to index
          %swap3A_379 = arith.index_cast %mul3A_376 : i32 to index
          %swap3A_380 = tpu.vector_load %arg7[%swap3A_378, %swap3A_379] {strides = array<i32>} : memref<2x4096xf32, #tpu.memory_space<vmem>>, vector<16xf32>,
          tpu.vector_store %arg7[%swap3A_378, %swap3A_379], %gather3A_374 {strides = array<i32>} : memref<2x4096xf32, #tpu.memory_space<vmem>>, vector<16xf32>,
          %scan3A_381 = arith.constant 14 : i32
          %scan3A_382 = arith.addi %scan3A_175, %scan3A_381 : i32
          %mul3A_383 = arith.constant 16 : i32
          %mul3A_384 = arith.muli %scan3A_382, %mul3A_383 : i32
          %add3A_385 = arith.constant 8192 : i32
          %add3A_386 = arith.addi %add3A_385, %mul3A_384 : i32
          %get3A_387 = arith.index_cast %add3A_386 : i32 to index
          %get3A_388 = tpu.vector_load %arg6[%get3A_387] {strides = array<i32>} : memref<16384xi32, #tpu.memory_space<vmem>>, vector<16xi32>,
          %gather3A_389 = tpu.vector_load_idx %arg5[%get3A_388] : memref<100000xf32, #tpu.memory_space<vmem>>[vector<16xi32>], vector<16xf32>,
          %mul3A_390 = arith.constant 16 : i32
          %mul3A_391 = arith.muli %scan3A_382, %mul3A_390 : i32
          %swap3A_392 = arith.constant 0 : i32
          %swap3A_393 = arith.index_cast %swap3A_392 : i32 to index
          %swap3A_394 = arith.index_cast %mul3A_391 : i32 to index
          %swap3A_395 = tpu.vector_load %arg7[%swap3A_393, %swap3A_394] {strides = array<i32>} : memref<2x4096xf32, #tpu.memory_space<vmem>>, vector<16xf32>,
          tpu.vector_store %arg7[%swap3A_393, %swap3A_394], %gather3A_389 {strides = array<i32>} : memref<2x4096xf32, #tpu.memory_space<vmem>>, vector<16xf32>,
          %scan3A_396 = arith.constant 15 : i32
          %scan3A_397 = arith.addi %scan3A_175, %scan3A_396 : i32
          %mul3A_398 = arith.constant 16 : i32
          %mul3A_399 = arith.muli %scan3A_397, %mul3A_398 : i32
          %add3A_400 = arith.constant 8192 : i32
          %add3A_401 = arith.addi %add3A_400, %mul3A_399 : i32
          %get3A_402 = arith.index_cast %add3A_401 : i32 to index
          %get3A_403 = tpu.vector_load %arg6[%get3A_402] {strides = array<i32>} : memref<16384xi32, #tpu.memory_space<vmem>>, vector<16xi32>,
          %gather3A_404 = tpu.vector_load_idx %arg5[%get3A_403] : memref<100000xf32, #tpu.memory_space<vmem>>[vector<16xi32>], vector<16xf32>,
          %mul3A_405 = arith.constant 16 : i32
          %mul3A_406 = arith.muli %scan3A_397, %mul3A_405 : i32
          %swap3A_407 = arith.constant 0 : i32
          %swap3A_408 = arith.index_cast %swap3A_407 : i32 to index
          %swap3A_409 = arith.index_cast %mul3A_406 : i32 to index
          %swap3A_410 = tpu.vector_load %arg7[%swap3A_408, %swap3A_409] {strides = array<i32>} : memref<2x4096xf32, #tpu.memory_space<vmem>>, vector<16xf32>,
          tpu.vector_store %arg7[%swap3A_408, %swap3A_409], %gather3A_404 {strides = array<i32>} : memref<2x4096xf32, #tpu.memory_space<vmem>>, vector<16xf32>,
        }
        %scan3A_103 = arith.constant 256 : i32
        %dma_start3A_104 = arith.constant 0 : i32
        %dma_start3A_105 = arith.constant 0 : i32
        %dma_start3A_106 = tpu.memref_slice %arg7[%dma_start3A_104, %dma_start3A_105] : memref<2x4096xf32, #tpu.memory_space<vmem>> -> memref<1x4096xf32, #tpu.memory_space<vmem>>
        %dma_start3A_107 = tpu.memref_squeeze %dma_start3A_106 : memref<1x4096xf32, #tpu.memory_space<vmem>> -> memref<4096xf32, #tpu.memory_space<vmem>>
        %dma_start3A_108 = arith.constant 8192 : i32
        %dma_start3A_109 = tpu.memref_slice %arg4[%add3A_11, %dma_start3A_108] : memref<1300x16384xf32, #tpu.memory_space<hbm>> -> memref<1x4096xf32, #tpu.memory_space<hbm>>
        %dma_start3A_110 = tpu.memref_squeeze %dma_start3A_109 : memref<1x4096xf32, #tpu.memory_space<hbm>> -> memref<4096xf32, #tpu.memory_space<hbm>>
        %dma_start3A_111 = arith.constant 8192 : i32
        %dma_start3A_112 = tpu.memref_slice %arg4[%add3A_11, %dma_start3A_111] : memref<1300x16384xf32, #tpu.memory_space<hbm>> -> memref<1x4096xf32, #tpu.memory_space<hbm>>
        %dma_start3A_113 = tpu.memref_squeeze %dma_start3A_112 : memref<1x4096xf32, #tpu.memory_space<hbm>> -> memref<4096xf32, #tpu.memory_space<hbm>>
        %dma_start3A_114 = arith.constant 0 : i32
        %dma_start3A_115 = tpu.memref_slice %arg7[%dma_start3A_104, %dma_start3A_114] : memref<2x4096xf32, #tpu.memory_space<vmem>> -> memref<1x4096xf32, #tpu.memory_space<vmem>>
        %dma_start3A_116 = tpu.memref_squeeze %dma_start3A_115 : memref<1x4096xf32, #tpu.memory_space<vmem>> -> memref<4096xf32, #tpu.memory_space<vmem>>
        tpu.enqueue_dma source(%dma_start3A_116 : memref<4096xf32, #tpu.memory_space<vmem>>) target(%dma_start3A_113 : memref<4096xf32, #tpu.memory_space<hbm>>) target_semaphore(%arg9 : memref<!tpu.dma_semaphore, #tpu.memory_space<semaphore_mem>>)
        %dma_wait3A_117 = arith.constant 1 : i32
        %dma_wait3A_118 = arith.constant 0 : i32
        %dma_wait3A_119 = tpu.memref_slice %arg7[%dma_wait3A_117, %dma_wait3A_118] : memref<2x4096xf32, #tpu.memory_space<vmem>> -> memref<1x4096xf32, #tpu.memory_space<vmem>>
        %dma_wait3A_120 = tpu.memref_squeeze %dma_wait3A_119 : memref<1x4096xf32, #tpu.memory_space<vmem>> -> memref<4096xf32, #tpu.memory_space<vmem>>
        %dma_wait3A_121 = arith.constant 4096 : i32
        %dma_wait3A_122 = tpu.memref_slice %arg4[%add3A_11, %dma_wait3A_121] : memref<1300x16384xf32, #tpu.memory_space<hbm>> -> memref<1x4096xf32, #tpu.memory_space<hbm>>
        %dma_wait3A_123 = tpu.memref_squeeze %dma_wait3A_122 : memref<1x4096xf32, #tpu.memory_space<hbm>> -> memref<4096xf32, #tpu.memory_space<hbm>>
        %dma_wait3A_124 = arith.constant 4096 : i32
        %dma_wait3A_125 = tpu.memref_slice %arg4[%add3A_11, %dma_wait3A_124] : memref<1300x16384xf32, #tpu.memory_space<hbm>> -> memref<1x4096xf32, #tpu.memory_space<hbm>>
        %dma_wait3A_126 = tpu.memref_squeeze %dma_wait3A_125 : memref<1x4096xf32, #tpu.memory_space<hbm>> -> memref<4096xf32, #tpu.memory_space<hbm>>
        %dma_wait3A_127 = arith.constant 0 : i32
        %dma_wait3A_128 = tpu.memref_slice %arg7[%dma_wait3A_117, %dma_wait3A_127] : memref<2x4096xf32, #tpu.memory_space<vmem>> -> memref<1x4096xf32, #tpu.memory_space<vmem>>
        %dma_wait3A_129 = tpu.memref_squeeze %dma_wait3A_128 : memref<1x4096xf32, #tpu.memory_space<vmem>> -> memref<4096xf32, #tpu.memory_space<vmem>>
        tpu.wait_dma2 semaphore(%arg9 : memref<!tpu.dma_semaphore, #tpu.memory_space<semaphore_mem>>) src(%dma_wait3A_129 : memref<4096xf32, #tpu.memory_space<vmem>>) dst(%dma_wait3A_126 : memref<4096xf32, #tpu.memory_space<hbm>>)
        %scan3A_130 = arith.constant 0 : i32
        %scan3A_131 = arith.constant 0 : i32
        %scan3A_132 = arith.constant 256 : i32
        %scan3A_133 = arith.addi %scan3A_131, %scan3A_132 : i32
        %scan3A_134 = arith.constant 16 : i32
        scf.for %scan3A_175 = %scan3A_131 to %scan3A_133 step %scan3A_134  : i32 {
          %mul3A_176 = arith.constant 16 : i32
          %mul3A_177 = arith.muli %scan3A_175, %mul3A_176 : i32
          %add3A_178 = arith.constant 12288 : i32
          %add3A_179 = arith.addi %add3A_178, %mul3A_177 : i32
          %get3A = arith.index_cast %add3A_179 : i32 to index
          %get3A_180 = tpu.vector_load %arg6[%get3A] {strides = array<i32>} : memref<16384xi32, #tpu.memory_space<vmem>>, vector<16xi32>,
          %gather3A = tpu.vector_load_idx %arg5[%get3A_180] : memref<100000xf32, #tpu.memory_space<vmem>>[vector<16xi32>], vector<16xf32>,
          %mul3A_181 = arith.constant 16 : i32
          %mul3A_182 = arith.muli %scan3A_175, %mul3A_181 : i32
          %swap3A = arith.constant 1 : i32
          %swap3A_183 = arith.index_cast %swap3A : i32 to index
          %swap3A_184 = arith.index_cast %mul3A_182 : i32 to index
          %swap3A_185 = tpu.vector_load %arg7[%swap3A_183, %swap3A_184] {strides = array<i32>} : memref<2x4096xf32, #tpu.memory_space<vmem>>, vector<16xf32>,
          tpu.vector_store %arg7[%swap3A_183, %swap3A_184], %gather3A {strides = array<i32>} : memref<2x4096xf32, #tpu.memory_space<vmem>>, vector<16xf32>,
          %scan3A_186 = arith.constant 1 : i32
          %scan3A_187 = arith.addi %scan3A_175, %scan3A_186 : i32
          %mul3A_188 = arith.constant 16 : i32
          %mul3A_189 = arith.muli %scan3A_187, %mul3A_188 : i32
          %add3A_190 = arith.constant 12288 : i32
          %add3A_191 = arith.addi %add3A_190, %mul3A_189 : i32
          %get3A_192 = arith.index_cast %add3A_191 : i32 to index
          %get3A_193 = tpu.vector_load %arg6[%get3A_192] {strides = array<i32>} : memref<16384xi32, #tpu.memory_space<vmem>>, vector<16xi32>,
          %gather3A_194 = tpu.vector_load_idx %arg5[%get3A_193] : memref<100000xf32, #tpu.memory_space<vmem>>[vector<16xi32>], vector<16xf32>,
          %mul3A_195 = arith.constant 16 : i32
          %mul3A_196 = arith.muli %scan3A_187, %mul3A_195 : i32
          %swap3A_197 = arith.constant 1 : i32
          %swap3A_198 = arith.index_cast %swap3A_197 : i32 to index
          %swap3A_199 = arith.index_cast %mul3A_196 : i32 to index
          %swap3A_200 = tpu.vector_load %arg7[%swap3A_198, %swap3A_199] {strides = array<i32>} : memref<2x4096xf32, #tpu.memory_space<vmem>>, vector<16xf32>,
          tpu.vector_store %arg7[%swap3A_198, %swap3A_199], %gather3A_194 {strides = array<i32>} : memref<2x4096xf32, #tpu.memory_space<vmem>>, vector<16xf32>,
          %scan3A_201 = arith.constant 2 : i32
          %scan3A_202 = arith.addi %scan3A_175, %scan3A_201 : i32
          %mul3A_203 = arith.constant 16 : i32
          %mul3A_204 = arith.muli %scan3A_202, %mul3A_203 : i32
          %add3A_205 = arith.constant 12288 : i32
          %add3A_206 = arith.addi %add3A_205, %mul3A_204 : i32
          %get3A_207 = arith.index_cast %add3A_206 : i32 to index
          %get3A_208 = tpu.vector_load %arg6[%get3A_207] {strides = array<i32>} : memref<16384xi32, #tpu.memory_space<vmem>>, vector<16xi32>,
          %gather3A_209 = tpu.vector_load_idx %arg5[%get3A_208] : memref<100000xf32, #tpu.memory_space<vmem>>[vector<16xi32>], vector<16xf32>,
          %mul3A_210 = arith.constant 16 : i32
          %mul3A_211 = arith.muli %scan3A_202, %mul3A_210 : i32
          %swap3A_212 = arith.constant 1 : i32
          %swap3A_213 = arith.index_cast %swap3A_212 : i32 to index
          %swap3A_214 = arith.index_cast %mul3A_211 : i32 to index
          %swap3A_215 = tpu.vector_load %arg7[%swap3A_213, %swap3A_214] {strides = array<i32>} : memref<2x4096xf32, #tpu.memory_space<vmem>>, vector<16xf32>,
          tpu.vector_store %arg7[%swap3A_213, %swap3A_214], %gather3A_209 {strides = array<i32>} : memref<2x4096xf32, #tpu.memory_space<vmem>>, vector<16xf32>,
          %scan3A_216 = arith.constant 3 : i32
          %scan3A_217 = arith.addi %scan3A_175, %scan3A_216 : i32
          %mul3A_218 = arith.constant 16 : i32
          %mul3A_219 = arith.muli %scan3A_217, %mul3A_218 : i32
          %add3A_220 = arith.constant 12288 : i32
          %add3A_221 = arith.addi %add3A_220, %mul3A_219 : i32
          %get3A_222 = arith.index_cast %add3A_221 : i32 to index
          %get3A_223 = tpu.vector_load %arg6[%get3A_222] {strides = array<i32>} : memref<16384xi32, #tpu.memory_space<vmem>>, vector<16xi32>,
          %gather3A_224 = tpu.vector_load_idx %arg5[%get3A_223] : memref<100000xf32, #tpu.memory_space<vmem>>[vector<16xi32>], vector<16xf32>,
          %mul3A_225 = arith.constant 16 : i32
          %mul3A_226 = arith.muli %scan3A_217, %mul3A_225 : i32
          %swap3A_227 = arith.constant 1 : i32
          %swap3A_228 = arith.index_cast %swap3A_227 : i32 to index
          %swap3A_229 = arith.index_cast %mul3A_226 : i32 to index
          %swap3A_230 = tpu.vector_load %arg7[%swap3A_228, %swap3A_229] {strides = array<i32>} : memref<2x4096xf32, #tpu.memory_space<vmem>>, vector<16xf32>,
          tpu.vector_store %arg7[%swap3A_228, %swap3A_229], %gather3A_224 {strides = array<i32>} : memref<2x4096xf32, #tpu.memory_space<vmem>>, vector<16xf32>,
          %scan3A_231 = arith.constant 4 : i32
          %scan3A_232 = arith.addi %scan3A_175, %scan3A_231 : i32
          %mul3A_233 = arith.constant 16 : i32
          %mul3A_234 = arith.muli %scan3A_232, %mul3A_233 : i32
          %add3A_235 = arith.constant 12288 : i32
          %add3A_236 = arith.addi %add3A_235, %mul3A_234 : i32
          %get3A_237 = arith.index_cast %add3A_236 : i32 to index
          %get3A_238 = tpu.vector_load %arg6[%get3A_237] {strides = array<i32>} : memref<16384xi32, #tpu.memory_space<vmem>>, vector<16xi32>,
          %gather3A_239 = tpu.vector_load_idx %arg5[%get3A_238] : memref<100000xf32, #tpu.memory_space<vmem>>[vector<16xi32>], vector<16xf32>,
          %mul3A_240 = arith.constant 16 : i32
          %mul3A_241 = arith.muli %scan3A_232, %mul3A_240 : i32
          %swap3A_242 = arith.constant 1 : i32
          %swap3A_243 = arith.index_cast %swap3A_242 : i32 to index
          %swap3A_244 = arith.index_cast %mul3A_241 : i32 to index
          %swap3A_245 = tpu.vector_load %arg7[%swap3A_243, %swap3A_244] {strides = array<i32>} : memref<2x4096xf32, #tpu.memory_space<vmem>>, vector<16xf32>,
          tpu.vector_store %arg7[%swap3A_243, %swap3A_244], %gather3A_239 {strides = array<i32>} : memref<2x4096xf32, #tpu.memory_space<vmem>>, vector<16xf32>,
          %scan3A_246 = arith.constant 5 : i32
          %scan3A_247 = arith.addi %scan3A_175, %scan3A_246 : i32
          %mul3A_248 = arith.constant 16 : i32
          %mul3A_249 = arith.muli %scan3A_247, %mul3A_248 : i32
          %add3A_250 = arith.constant 12288 : i32
          %add3A_251 = arith.addi %add3A_250, %mul3A_249 : i32
          %get3A_252 = arith.index_cast %add3A_251 : i32 to index
          %get3A_253 = tpu.vector_load %arg6[%get3A_252] {strides = array<i32>} : memref<16384xi32, #tpu.memory_space<vmem>>, vector<16xi32>,
          %gather3A_254 = tpu.vector_load_idx %arg5[%get3A_253] : memref<100000xf32, #tpu.memory_space<vmem>>[vector<16xi32>], vector<16xf32>,
          %mul3A_255 = arith.constant 16 : i32
          %mul3A_256 = arith.muli %scan3A_247, %mul3A_255 : i32
          %swap3A_257 = arith.constant 1 : i32
          %swap3A_258 = arith.index_cast %swap3A_257 : i32 to index
          %swap3A_259 = arith.index_cast %mul3A_256 : i32 to index
          %swap3A_260 = tpu.vector_load %arg7[%swap3A_258, %swap3A_259] {strides = array<i32>} : memref<2x4096xf32, #tpu.memory_space<vmem>>, vector<16xf32>,
          tpu.vector_store %arg7[%swap3A_258, %swap3A_259], %gather3A_254 {strides = array<i32>} : memref<2x4096xf32, #tpu.memory_space<vmem>>, vector<16xf32>,
          %scan3A_261 = arith.constant 6 : i32
          %scan3A_262 = arith.addi %scan3A_175, %scan3A_261 : i32
          %mul3A_263 = arith.constant 16 : i32
          %mul3A_264 = arith.muli %scan3A_262, %mul3A_263 : i32
          %add3A_265 = arith.constant 12288 : i32
          %add3A_266 = arith.addi %add3A_265, %mul3A_264 : i32
          %get3A_267 = arith.index_cast %add3A_266 : i32 to index
          %get3A_268 = tpu.vector_load %arg6[%get3A_267] {strides = array<i32>} : memref<16384xi32, #tpu.memory_space<vmem>>, vector<16xi32>,
          %gather3A_269 = tpu.vector_load_idx %arg5[%get3A_268] : memref<100000xf32, #tpu.memory_space<vmem>>[vector<16xi32>], vector<16xf32>,
          %mul3A_270 = arith.constant 16 : i32
          %mul3A_271 = arith.muli %scan3A_262, %mul3A_270 : i32
          %swap3A_272 = arith.constant 1 : i32
          %swap3A_273 = arith.index_cast %swap3A_272 : i32 to index
          %swap3A_274 = arith.index_cast %mul3A_271 : i32 to index
          %swap3A_275 = tpu.vector_load %arg7[%swap3A_273, %swap3A_274] {strides = array<i32>} : memref<2x4096xf32, #tpu.memory_space<vmem>>, vector<16xf32>,
          tpu.vector_store %arg7[%swap3A_273, %swap3A_274], %gather3A_269 {strides = array<i32>} : memref<2x4096xf32, #tpu.memory_space<vmem>>, vector<16xf32>,
          %scan3A_276 = arith.constant 7 : i32
          %scan3A_277 = arith.addi %scan3A_175, %scan3A_276 : i32
          %mul3A_278 = arith.constant 16 : i32
          %mul3A_279 = arith.muli %scan3A_277, %mul3A_278 : i32
          %add3A_280 = arith.constant 12288 : i32
          %add3A_281 = arith.addi %add3A_280, %mul3A_279 : i32
          %get3A_282 = arith.index_cast %add3A_281 : i32 to index
          %get3A_283 = tpu.vector_load %arg6[%get3A_282] {strides = array<i32>} : memref<16384xi32, #tpu.memory_space<vmem>>, vector<16xi32>,
          %gather3A_284 = tpu.vector_load_idx %arg5[%get3A_283] : memref<100000xf32, #tpu.memory_space<vmem>>[vector<16xi32>], vector<16xf32>,
          %mul3A_285 = arith.constant 16 : i32
          %mul3A_286 = arith.muli %scan3A_277, %mul3A_285 : i32
          %swap3A_287 = arith.constant 1 : i32
          %swap3A_288 = arith.index_cast %swap3A_287 : i32 to index
          %swap3A_289 = arith.index_cast %mul3A_286 : i32 to index
          %swap3A_290 = tpu.vector_load %arg7[%swap3A_288, %swap3A_289] {strides = array<i32>} : memref<2x4096xf32, #tpu.memory_space<vmem>>, vector<16xf32>,
          tpu.vector_store %arg7[%swap3A_288, %swap3A_289], %gather3A_284 {strides = array<i32>} : memref<2x4096xf32, #tpu.memory_space<vmem>>, vector<16xf32>,
          %scan3A_291 = arith.constant 8 : i32
          %scan3A_292 = arith.addi %scan3A_175, %scan3A_291 : i32
          %mul3A_293 = arith.constant 16 : i32
          %mul3A_294 = arith.muli %scan3A_292, %mul3A_293 : i32
          %add3A_295 = arith.constant 12288 : i32
          %add3A_296 = arith.addi %add3A_295, %mul3A_294 : i32
          %get3A_297 = arith.index_cast %add3A_296 : i32 to index
          %get3A_298 = tpu.vector_load %arg6[%get3A_297] {strides = array<i32>} : memref<16384xi32, #tpu.memory_space<vmem>>, vector<16xi32>,
          %gather3A_299 = tpu.vector_load_idx %arg5[%get3A_298] : memref<100000xf32, #tpu.memory_space<vmem>>[vector<16xi32>], vector<16xf32>,
          %mul3A_300 = arith.constant 16 : i32
          %mul3A_301 = arith.muli %scan3A_292, %mul3A_300 : i32
          %swap3A_302 = arith.constant 1 : i32
          %swap3A_303 = arith.index_cast %swap3A_302 : i32 to index
          %swap3A_304 = arith.index_cast %mul3A_301 : i32 to index
          %swap3A_305 = tpu.vector_load %arg7[%swap3A_303, %swap3A_304] {strides = array<i32>} : memref<2x4096xf32, #tpu.memory_space<vmem>>, vector<16xf32>,
          tpu.vector_store %arg7[%swap3A_303, %swap3A_304], %gather3A_299 {strides = array<i32>} : memref<2x4096xf32, #tpu.memory_space<vmem>>, vector<16xf32>,
          %scan3A_306 = arith.constant 9 : i32
          %scan3A_307 = arith.addi %scan3A_175, %scan3A_306 : i32
          %mul3A_308 = arith.constant 16 : i32
          %mul3A_309 = arith.muli %scan3A_307, %mul3A_308 : i32
          %add3A_310 = arith.constant 12288 : i32
          %add3A_311 = arith.addi %add3A_310, %mul3A_309 : i32
          %get3A_312 = arith.index_cast %add3A_311 : i32 to index
          %get3A_313 = tpu.vector_load %arg6[%get3A_312] {strides = array<i32>} : memref<16384xi32, #tpu.memory_space<vmem>>, vector<16xi32>,
          %gather3A_314 = tpu.vector_load_idx %arg5[%get3A_313] : memref<100000xf32, #tpu.memory_space<vmem>>[vector<16xi32>], vector<16xf32>,
          %mul3A_315 = arith.constant 16 : i32
          %mul3A_316 = arith.muli %scan3A_307, %mul3A_315 : i32
          %swap3A_317 = arith.constant 1 : i32
          %swap3A_318 = arith.index_cast %swap3A_317 : i32 to index
          %swap3A_319 = arith.index_cast %mul3A_316 : i32 to index
          %swap3A_320 = tpu.vector_load %arg7[%swap3A_318, %swap3A_319] {strides = array<i32>} : memref<2x4096xf32, #tpu.memory_space<vmem>>, vector<16xf32>,
          tpu.vector_store %arg7[%swap3A_318, %swap3A_319], %gather3A_314 {strides = array<i32>} : memref<2x4096xf32, #tpu.memory_space<vmem>>, vector<16xf32>,
          %scan3A_321 = arith.constant 10 : i32
          %scan3A_322 = arith.addi %scan3A_175, %scan3A_321 : i32
          %mul3A_323 = arith.constant 16 : i32
          %mul3A_324 = arith.muli %scan3A_322, %mul3A_323 : i32
          %add3A_325 = arith.constant 12288 : i32
          %add3A_326 = arith.addi %add3A_325, %mul3A_324 : i32
          %get3A_327 = arith.index_cast %add3A_326 : i32 to index
          %get3A_328 = tpu.vector_load %arg6[%get3A_327] {strides = array<i32>} : memref<16384xi32, #tpu.memory_space<vmem>>, vector<16xi32>,
          %gather3A_329 = tpu.vector_load_idx %arg5[%get3A_328] : memref<100000xf32, #tpu.memory_space<vmem>>[vector<16xi32>], vector<16xf32>,
          %mul3A_330 = arith.constant 16 : i32
          %mul3A_331 = arith.muli %scan3A_322, %mul3A_330 : i32
          %swap3A_332 = arith.constant 1 : i32
          %swap3A_333 = arith.index_cast %swap3A_332 : i32 to index
          %swap3A_334 = arith.index_cast %mul3A_331 : i32 to index
          %swap3A_335 = tpu.vector_load %arg7[%swap3A_333, %swap3A_334] {strides = array<i32>} : memref<2x4096xf32, #tpu.memory_space<vmem>>, vector<16xf32>,
          tpu.vector_store %arg7[%swap3A_333, %swap3A_334], %gather3A_329 {strides = array<i32>} : memref<2x4096xf32, #tpu.memory_space<vmem>>, vector<16xf32>,
          %scan3A_336 = arith.constant 11 : i32
          %scan3A_337 = arith.addi %scan3A_175, %scan3A_336 : i32
          %mul3A_338 = arith.constant 16 : i32
          %mul3A_339 = arith.muli %scan3A_337, %mul3A_338 : i32
          %add3A_340 = arith.constant 12288 : i32
          %add3A_341 = arith.addi %add3A_340, %mul3A_339 : i32
          %get3A_342 = arith.index_cast %add3A_341 : i32 to index
          %get3A_343 = tpu.vector_load %arg6[%get3A_342] {strides = array<i32>} : memref<16384xi32, #tpu.memory_space<vmem>>, vector<16xi32>,
          %gather3A_344 = tpu.vector_load_idx %arg5[%get3A_343] : memref<100000xf32, #tpu.memory_space<vmem>>[vector<16xi32>], vector<16xf32>,
          %mul3A_345 = arith.constant 16 : i32
          %mul3A_346 = arith.muli %scan3A_337, %mul3A_345 : i32
          %swap3A_347 = arith.constant 1 : i32
          %swap3A_348 = arith.index_cast %swap3A_347 : i32 to index
          %swap3A_349 = arith.index_cast %mul3A_346 : i32 to index
          %swap3A_350 = tpu.vector_load %arg7[%swap3A_348, %swap3A_349] {strides = array<i32>} : memref<2x4096xf32, #tpu.memory_space<vmem>>, vector<16xf32>,
          tpu.vector_store %arg7[%swap3A_348, %swap3A_349], %gather3A_344 {strides = array<i32>} : memref<2x4096xf32, #tpu.memory_space<vmem>>, vector<16xf32>,
          %scan3A_351 = arith.constant 12 : i32
          %scan3A_352 = arith.addi %scan3A_175, %scan3A_351 : i32
          %mul3A_353 = arith.constant 16 : i32
          %mul3A_354 = arith.muli %scan3A_352, %mul3A_353 : i32
          %add3A_355 = arith.constant 12288 : i32
          %add3A_356 = arith.addi %add3A_355, %mul3A_354 : i32
          %get3A_357 = arith.index_cast %add3A_356 : i32 to index
          %get3A_358 = tpu.vector_load %arg6[%get3A_357] {strides = array<i32>} : memref<16384xi32, #tpu.memory_space<vmem>>, vector<16xi32>,
          %gather3A_359 = tpu.vector_load_idx %arg5[%get3A_358] : memref<100000xf32, #tpu.memory_space<vmem>>[vector<16xi32>], vector<16xf32>,
          %mul3A_360 = arith.constant 16 : i32
          %mul3A_361 = arith.muli %scan3A_352, %mul3A_360 : i32
          %swap3A_362 = arith.constant 1 : i32
          %swap3A_363 = arith.index_cast %swap3A_362 : i32 to index
          %swap3A_364 = arith.index_cast %mul3A_361 : i32 to index
          %swap3A_365 = tpu.vector_load %arg7[%swap3A_363, %swap3A_364] {strides = array<i32>} : memref<2x4096xf32, #tpu.memory_space<vmem>>, vector<16xf32>,
          tpu.vector_store %arg7[%swap3A_363, %swap3A_364], %gather3A_359 {strides = array<i32>} : memref<2x4096xf32, #tpu.memory_space<vmem>>, vector<16xf32>,
          %scan3A_366 = arith.constant 13 : i32
          %scan3A_367 = arith.addi %scan3A_175, %scan3A_366 : i32
          %mul3A_368 = arith.constant 16 : i32
          %mul3A_369 = arith.muli %scan3A_367, %mul3A_368 : i32
          %add3A_370 = arith.constant 12288 : i32
          %add3A_371 = arith.addi %add3A_370, %mul3A_369 : i32
          %get3A_372 = arith.index_cast %add3A_371 : i32 to index
          %get3A_373 = tpu.vector_load %arg6[%get3A_372] {strides = array<i32>} : memref<16384xi32, #tpu.memory_space<vmem>>, vector<16xi32>,
          %gather3A_374 = tpu.vector_load_idx %arg5[%get3A_373] : memref<100000xf32, #tpu.memory_space<vmem>>[vector<16xi32>], vector<16xf32>,
          %mul3A_375 = arith.constant 16 : i32
          %mul3A_376 = arith.muli %scan3A_367, %mul3A_375 : i32
          %swap3A_377 = arith.constant 1 : i32
          %swap3A_378 = arith.index_cast %swap3A_377 : i32 to index
          %swap3A_379 = arith.index_cast %mul3A_376 : i32 to index
          %swap3A_380 = tpu.vector_load %arg7[%swap3A_378, %swap3A_379] {strides = array<i32>} : memref<2x4096xf32, #tpu.memory_space<vmem>>, vector<16xf32>,
          tpu.vector_store %arg7[%swap3A_378, %swap3A_379], %gather3A_374 {strides = array<i32>} : memref<2x4096xf32, #tpu.memory_space<vmem>>, vector<16xf32>,
          %scan3A_381 = arith.constant 14 : i32
          %scan3A_382 = arith.addi %scan3A_175, %scan3A_381 : i32
          %mul3A_383 = arith.constant 16 : i32
          %mul3A_384 = arith.muli %scan3A_382, %mul3A_383 : i32
          %add3A_385 = arith.constant 12288 : i32
          %add3A_386 = arith.addi %add3A_385, %mul3A_384 : i32
          %get3A_387 = arith.index_cast %add3A_386 : i32 to index
          %get3A_388 = tpu.vector_load %arg6[%get3A_387] {strides = array<i32>} : memref<16384xi32, #tpu.memory_space<vmem>>, vector<16xi32>,
          %gather3A_389 = tpu.vector_load_idx %arg5[%get3A_388] : memref<100000xf32, #tpu.memory_space<vmem>>[vector<16xi32>], vector<16xf32>,
          %mul3A_390 = arith.constant 16 : i32
          %mul3A_391 = arith.muli %scan3A_382, %mul3A_390 : i32
          %swap3A_392 = arith.constant 1 : i32
          %swap3A_393 = arith.index_cast %swap3A_392 : i32 to index
          %swap3A_394 = arith.index_cast %mul3A_391 : i32 to index
          %swap3A_395 = tpu.vector_load %arg7[%swap3A_393, %swap3A_394] {strides = array<i32>} : memref<2x4096xf32, #tpu.memory_space<vmem>>, vector<16xf32>,
          tpu.vector_store %arg7[%swap3A_393, %swap3A_394], %gather3A_389 {strides = array<i32>} : memref<2x4096xf32, #tpu.memory_space<vmem>>, vector<16xf32>,
          %scan3A_396 = arith.constant 15 : i32
          %scan3A_397 = arith.addi %scan3A_175, %scan3A_396 : i32
          %mul3A_398 = arith.constant 16 : i32
          %mul3A_399 = arith.muli %scan3A_397, %mul3A_398 : i32
          %add3A_400 = arith.constant 12288 : i32
          %add3A_401 = arith.addi %add3A_400, %mul3A_399 : i32
          %get3A_402 = arith.index_cast %add3A_401 : i32 to index
          %get3A_403 = tpu.vector_load %arg6[%get3A_402] {strides = array<i32>} : memref<16384xi32, #tpu.memory_space<vmem>>, vector<16xi32>,
          %gather3A_404 = tpu.vector_load_idx %arg5[%get3A_403] : memref<100000xf32, #tpu.memory_space<vmem>>[vector<16xi32>], vector<16xf32>,
          %mul3A_405 = arith.constant 16 : i32
          %mul3A_406 = arith.muli %scan3A_397, %mul3A_405 : i32
          %swap3A_407 = arith.constant 1 : i32
          %swap3A_408 = arith.index_cast %swap3A_407 : i32 to index
          %swap3A_409 = arith.index_cast %mul3A_406 : i32 to index
          %swap3A_410 = tpu.vector_load %arg7[%swap3A_408, %swap3A_409] {strides = array<i32>} : memref<2x4096xf32, #tpu.memory_space<vmem>>, vector<16xf32>,
          tpu.vector_store %arg7[%swap3A_408, %swap3A_409], %gather3A_404 {strides = array<i32>} : memref<2x4096xf32, #tpu.memory_space<vmem>>, vector<16xf32>,
        }
        %scan3A_135 = arith.constant 256 : i32
        %dma_start3A_136 = arith.constant 1 : i32
        %dma_start3A_137 = arith.constant 0 : i32
        %dma_start3A_138 = tpu.memref_slice %arg7[%dma_start3A_136, %dma_start3A_137] : memref<2x4096xf32, #tpu.memory_space<vmem>> -> memref<1x4096xf32, #tpu.memory_space<vmem>>
        %dma_start3A_139 = tpu.memref_squeeze %dma_start3A_138 : memref<1x4096xf32, #tpu.memory_space<vmem>> -> memref<4096xf32, #tpu.memory_space<vmem>>
        %dma_start3A_140 = arith.constant 12288 : i32
        %dma_start3A_141 = tpu.memref_slice %arg4[%add3A_11, %dma_start3A_140] : memref<1300x16384xf32, #tpu.memory_space<hbm>> -> memref<1x4096xf32, #tpu.memory_space<hbm>>
        %dma_start3A_142 = tpu.memref_squeeze %dma_start3A_141 : memref<1x4096xf32, #tpu.memory_space<hbm>> -> memref<4096xf32, #tpu.memory_space<hbm>>
        %dma_start3A_143 = arith.constant 12288 : i32
        %dma_start3A_144 = tpu.memref_slice %arg4[%add3A_11, %dma_start3A_143] : memref<1300x16384xf32, #tpu.memory_space<hbm>> -> memref<1x4096xf32, #tpu.memory_space<hbm>>
        %dma_start3A_145 = tpu.memref_squeeze %dma_start3A_144 : memref<1x4096xf32, #tpu.memory_space<hbm>> -> memref<4096xf32, #tpu.memory_space<hbm>>
        %dma_start3A_146 = arith.constant 0 : i32
        %dma_start3A_147 = tpu.memref_slice %arg7[%dma_start3A_136, %dma_start3A_146] : memref<2x4096xf32, #tpu.memory_space<vmem>> -> memref<1x4096xf32, #tpu.memory_space<vmem>>
        %dma_start3A_148 = tpu.memref_squeeze %dma_start3A_147 : memref<1x4096xf32, #tpu.memory_space<vmem>> -> memref<4096xf32, #tpu.memory_space<vmem>>
        tpu.enqueue_dma source(%dma_start3A_148 : memref<4096xf32, #tpu.memory_space<vmem>>) target(%dma_start3A_145 : memref<4096xf32, #tpu.memory_space<hbm>>) target_semaphore(%arg9 : memref<!tpu.dma_semaphore, #tpu.memory_space<semaphore_mem>>)
        %dma_wait3A_149 = arith.constant 0 : i32
        %dma_wait3A_150 = arith.constant 0 : i32
        %dma_wait3A_151 = tpu.memref_slice %arg7[%dma_wait3A_149, %dma_wait3A_150] : memref<2x4096xf32, #tpu.memory_space<vmem>> -> memref<1x4096xf32, #tpu.memory_space<vmem>>
        %dma_wait3A_152 = tpu.memref_squeeze %dma_wait3A_151 : memref<1x4096xf32, #tpu.memory_space<vmem>> -> memref<4096xf32, #tpu.memory_space<vmem>>
        %dma_wait3A_153 = arith.constant 8192 : i32
        %dma_wait3A_154 = tpu.memref_slice %arg4[%add3A_11, %dma_wait3A_153] : memref<1300x16384xf32, #tpu.memory_space<hbm>> -> memref<1x4096xf32, #tpu.memory_space<hbm>>
        %dma_wait3A_155 = tpu.memref_squeeze %dma_wait3A_154 : memref<1x4096xf32, #tpu.memory_space<hbm>> -> memref<4096xf32, #tpu.memory_space<hbm>>
        %dma_wait3A_156 = arith.constant 8192 : i32
        %dma_wait3A_157 = tpu.memref_slice %arg4[%add3A_11, %dma_wait3A_156] : memref<1300x16384xf32, #tpu.memory_space<hbm>> -> memref<1x4096xf32, #tpu.memory_space<hbm>>
        %dma_wait3A_158 = tpu.memref_squeeze %dma_wait3A_157 : memref<1x4096xf32, #tpu.memory_space<hbm>> -> memref<4096xf32, #tpu.memory_space<hbm>>
        %dma_wait3A_159 = arith.constant 0 : i32
        %dma_wait3A_160 = tpu.memref_slice %arg7[%dma_wait3A_149, %dma_wait3A_159] : memref<2x4096xf32, #tpu.memory_space<vmem>> -> memref<1x4096xf32, #tpu.memory_space<vmem>>
        %dma_wait3A_161 = tpu.memref_squeeze %dma_wait3A_160 : memref<1x4096xf32, #tpu.memory_space<vmem>> -> memref<4096xf32, #tpu.memory_space<vmem>>
        tpu.wait_dma2 semaphore(%arg9 : memref<!tpu.dma_semaphore, #tpu.memory_space<semaphore_mem>>) src(%dma_wait3A_161 : memref<4096xf32, #tpu.memory_space<vmem>>) dst(%dma_wait3A_158 : memref<4096xf32, #tpu.memory_space<hbm>>)
        %dma_wait3A_162 = arith.constant 1 : i32
        %dma_wait3A_163 = arith.constant 0 : i32
        %dma_wait3A_164 = tpu.memref_slice %arg7[%dma_wait3A_162, %dma_wait3A_163] : memref<2x4096xf32, #tpu.memory_space<vmem>> -> memref<1x4096xf32, #tpu.memory_space<vmem>>
        %dma_wait3A_165 = tpu.memref_squeeze %dma_wait3A_164 : memref<1x4096xf32, #tpu.memory_space<vmem>> -> memref<4096xf32, #tpu.memory_space<vmem>>
        %dma_wait3A_166 = arith.constant 12288 : i32
        %dma_wait3A_167 = tpu.memref_slice %arg4[%add3A_11, %dma_wait3A_166] : memref<1300x16384xf32, #tpu.memory_space<hbm>> -> memref<1x4096xf32, #tpu.memory_space<hbm>>
        %dma_wait3A_168 = tpu.memref_squeeze %dma_wait3A_167 : memref<1x4096xf32, #tpu.memory_space<hbm>> -> memref<4096xf32, #tpu.memory_space<hbm>>
        %dma_wait3A_169 = arith.constant 12288 : i32
        %dma_wait3A_170 = tpu.memref_slice %arg4[%add3A_11, %dma_wait3A_169] : memref<1300x16384xf32, #tpu.memory_space<hbm>> -> memref<1x4096xf32, #tpu.memory_space<hbm>>
        %dma_wait3A_171 = tpu.memref_squeeze %dma_wait3A_170 : memref<1x4096xf32, #tpu.memory_space<hbm>> -> memref<4096xf32, #tpu.memory_space<hbm>>
        %dma_wait3A_172 = arith.constant 0 : i32
        %dma_wait3A_173 = tpu.memref_slice %arg7[%dma_wait3A_162, %dma_wait3A_172] : memref<2x4096xf32, #tpu.memory_space<vmem>> -> memref<1x4096xf32, #tpu.memory_space<vmem>>
        %dma_wait3A_174 = tpu.memref_squeeze %dma_wait3A_173 : memref<1x4096xf32, #tpu.memory_space<vmem>> -> memref<4096xf32, #tpu.memory_space<vmem>>
        tpu.wait_dma2 semaphore(%arg9 : memref<!tpu.dma_semaphore, #tpu.memory_space<semaphore_mem>>) src(%dma_wait3A_174 : memref<4096xf32, #tpu.memory_space<vmem>>) dst(%dma_wait3A_171 : memref<4096xf32, #tpu.memory_space<hbm>>)
      } else {
      }
      scf.yield %select_n3A : i32
    }
    %scan3A_6 = arith.constant 41 : i32
    return
  }
}

</mosaic_0001>

<sc_bundles>
// kernel: kernel.3.cloned.1.call-start
scs
__scs_entry_jumppad:
0x0: {  	(pc) =	sbr.rel $0x88, $3  }
0x1: {  	(tag) =	ssettag $0x0;
	lr =	simm.s32 $0x1  }
0x2: {  	[smem:$0x3F9F] =	sst lr;
	_ =	strace $0xD0000000  }
0x3: {  	_ = 	snop  }
0x4: {  	_ = 	snop  }
0x5: {  	_ = 	snop  }
0x6: {  	_ = 	snop  }
0x7: {  	_ = 	snop  }
__scs_overlays_trampoline_lowered:
0x8: {  	[smem:$0x3FAE] =	sst s0  }
0x9: {  	[smem:$0x3FAF] =	sst s1  }
0xa: {  	[smem:$0x3FB0] =	sst s2  }
0xb: {  	[smem:$0x3FB1] =	sst s3  }
0xc: {  	[smem:$0x3FB2] =	sst s4  }
0xd: {  	[smem:$0x3FB3] =	sst s5  }
0xe: {  	[smem:$0x3FB4] =	sst s6  }
0xf: {  	[smem:$0x3FB5] =	sst s7  }
0x10: {  	[smem:$0x3FB6] =	sst s8  }
0x11: {  	[smem:$0x3FB7] =	sst s9;
	s0 =	simm.s32 @!p0 $0x0  }
0x12: {  	s1 =	sld [smem:$0x3F9D];
	s0 =	simm.s32 @p0 $0x1  }
0x13: {  	[smem:$0x3FB8] =	sst s0;
	s0 =	simm.s32 @!p1 $0x0  }
0x14: {  	s2 =	sld [smem:$0x3F9C];
	s0 =	simm.s32 @p1 $0x1  }
0x15: {  	[smem:$0x3FB9] =	sst s0;
	s0 =	simm.s32 @!p2 $0x0  }
0x16: {  	s3 =	sld [smem:$0x3FDB];
	s0 =	simm.s32 @p2 $0x1  }
0x17: {  	s4 =	simm.s32 $0x1BF5;
	[smem:$0x3FBB] =	sst s0  }
0x18: {  	s0 =	sld [smem:$0x3F9E];
	_ =	swait.ge [sflag:s4], $0x0  }
0x19: {  	s7 =	sld [smem:$0x3F9F]  }
0x1a: {  	s8 =	sadd.s32 $0xFFFFE003, lr  }
0x1b: {  	s9 =	sadd.s32 $0xFFFFFEF7, lr;
	s5 =	simm.s32 $0xFFFFFFFF;
	p2 =	slt.u32 s8, $0xFFFFF086  }
0x1c: {  	p1 =	slt.u32 s9, $0xF7A;
	s5 =	simm.s32 @!p2 $0x0  }
0x1d: {  	s5 =	simm.s32 @p1 $0x1;
	p0 =	seq.s32 s7, s2  }
0x1e: {  	s7 =	smul.u32 @!p0 $0xF7A, s2;
	p2 =	seq.s32 @!p0 s5, $0x0  }
0x1f: {  	s9 =	smul.u32 $0xF7A, s1;
	s8 =	simm.s32 @!p0 $0x1BF5;
	p2 =	por !p2, p0  }
0x20: {  	[sflag:s8] =	ssyncset.s32 @!p0 $0xFFFFF086;
	s6 =	sadd.s32 @!p0 s3, s7;
	s7 =	simm.s32 @!p0 $0x108  }
0x21: {  	s3 =	sadd.s32 s3, s9;
	s6 =	sadd.s32 @!p0 $0x88, s6;
	s7 =	simm.s32 @p2 $0x1082  }
0x22: {  	[simem:s7], [sflag:s8] =	dma.local @!p0 [hbm:s6], $0xF7A  }
0x23: {  	s9 =	sor.u32 $0xD0000000, s2;
	s6 =	simm.s32 $0x108;
	_ =	swait.ge @!p0 [sflag:s8], $0x0  }
0x24: {  	s3 =	sadd.s32 $0x88, s3;
	s6 =	simm.s32 @!p1 $0x1082;
	[sflag:s4] =	ssyncset.s32 $0xFFFFF086  }
0x25: {  	[simem:s6], [sflag:s4] =	dma.local [hbm:s3], $0xF7A  }
0x26: {  	[smem:$0x3F9F] =	sst s1;
	(tag) =	ssettag s2;
	_ =	strace s9  }
0x27: {  	s1 =	sld [smem:$0x3FAF]  }
0x28: {  	s2 =	sld [smem:$0x3FB0]  }
0x29: {  	s4 =	sld [smem:$0x3FB2]  }
0x2a: {  	p0 =	seq.s32 s5, $0x0;
	s5 =	sld [smem:$0x3FB3]  }
0x2b: {  	s6 =	sld [smem:$0x3FB4]  }
0x2c: {  	s7 =	sld [smem:$0x3FB5]  }
0x2d: {  	s3 =	simm.s32 $0x108;
	s8 =	sld [smem:$0x3FB6]  }
0x2e: {  	s3 =	simm.s32 @!p0 $0x1082;
	s9 =	sld [smem:$0x3FB7]  }
0x2f: {  	lr =	sadd.s32 s0, s3;
	s0 =	sld [smem:$0x3FAE]  }
0x30: {  	s3 =	sld [smem:$0x3FB1]  }
0x31: {  	[smem:$0x3FBA] =	sst s10  }
0x32: {  	s10 =	sld [smem:$0x3FB8];
	_ =	sdelay $0x3  }
0x33: {  	p0 =	seq.s32 s10, $0x1;
	s10 =	sld [smem:$0x3FBA];
	_ =	sdelay $0x3  }
0x34: {  	[smem:$0x3FBA] =	sst s10  }
0x35: {  	s10 =	sld [smem:$0x3FB9];
	_ =	sdelay $0x3  }
0x36: {  	p1 =	seq.s32 s10, $0x1;
	s10 =	sld [smem:$0x3FBA];
	_ =	sdelay $0x3  }
0x37: {  	[smem:$0x3FBA] =	sst s10  }
0x38: {  	s10 =	sld [smem:$0x3FBB]  }
0x39: {  	_ = 	snop;
	(pc) =	sbr.ind lr, $3  }
0x3a: {  	_ = 	snop  }
0x3b: {  	_ = 	snop  }
0x3c: {  	p2 =	seq.s32 s10, $0x1;
	s10 =	sld [smem:$0x3FBA]  }
0x3d: {  	_ =	shalt  }
0x3e: {  	_ =	shalt  }
0x3f: {  	_ =	shalt  }
0x40: {  	_ =	shalt  }
0x41: {  	_ =	shalt  }
0x42: {  	_ =	shalt  }
0x43: {  	_ =	shalt  }
0x44: {  	_ =	shalt  }
0x45: {  	_ =	shalt  }
0x46: {  	_ =	shalt  }
0x47: {  	_ =	shalt  }
0x48: {  	_ =	shalt  }
0x49: {  	_ =	shalt  }
0x4a: {  	_ =	shalt  }
0x4b: {  	_ =	shalt  }
0x4c: {  	_ =	shalt  }
0x4d: {  	_ =	shalt  }
0x4e: {  	_ =	shalt  }
0x4f: {  	_ =	shalt  }
0x50: {  	_ =	shalt  }
0x51: {  	_ =	shalt  }
0x52: {  	_ =	shalt  }
0x53: {  	_ =	shalt  }
0x54: {  	_ =	shalt  }
0x55: {  	_ =	shalt  }
0x56: {  	_ =	shalt  }
0x57: {  	_ =	shalt  }
0x58: {  	_ =	shalt  }
0x59: {  	_ =	shalt  }
0x5a: {  	_ =	shalt  }
0x5b: {  	_ =	shalt  }
0x5c: {  	_ =	shalt  }
0x5d: {  	_ =	shalt  }
0x5e: {  	_ =	shalt  }
0x5f: {  	_ =	shalt  }
0x60: {  	_ =	shalt  }
0x61: {  	_ =	shalt  }
0x62: {  	_ =	shalt  }
0x63: {  	_ =	shalt  }
0x64: {  	_ =	shalt  }
0x65: {  	_ =	shalt  }
0x66: {  	_ =	shalt  }
0x67: {  	_ =	shalt  }
0x68: {  	_ =	shalt  }
0x69: {  	_ =	shalt  }
0x6a: {  	_ =	shalt  }
0x6b: {  	_ =	shalt  }
0x6c: {  	_ =	shalt  }
0x6d: {  	_ =	shalt  }
0x6e: {  	_ =	shalt  }
0x6f: {  	_ =	shalt  }
0x70: {  	_ =	shalt  }
0x71: {  	_ =	shalt  }
0x72: {  	_ =	shalt  }
0x73: {  	_ =	shalt  }
0x74: {  	_ =	shalt  }
0x75: {  	_ =	shalt  }
0x76: {  	_ =	shalt  }
0x77: {  	_ =	shalt  }
0x78: {  	_ =	shalt  }
0x79: {  	_ =	shalt  }
0x7a: {  	_ =	shalt  }
0x7b: {  	_ =	shalt  }
0x7c: {  	_ =	shalt  }
0x7d: {  	_ =	shalt  }
0x7e: {  	_ =	shalt  }
0x7f: {  	_ =	shalt  }
0x80: {  	_ =	shalt  }
0x81: {  	_ =	shalt  }
0x82: {  	_ =	shalt  }
0x83: {  	_ =	shalt  }
0x84: {  	_ =	shalt  }
0x85: {  	_ =	shalt  }
0x86: {  	_ =	shalt  }
0x87: {  	_ =	shalt  }
.Lfunc_end0:
.L_simem_size_0:
called_computation_lowered:
.L_overlay_start_0:
0x88: {  	s2 =	sld [smem:$0x3FD9]  }
0x89: {  	s3 =	sld [smem:$0x3FFE];
	_ =	sdelay $0x1  }
0x8a: {  	s1 =	srdreg.scid  }
0x8b: {  	s0 =	sand.u32 $0x1, s1  }
0x8c: {  	s18 =	sshll.u32 s0, $0xA;
	s2 =	sadd.s32 s3, s2  }
0x8d: {  	s2 =	sadd.s32 s2, s18  }
0x8e: {  	[smem:$0x3FC6] =	sst s2  }
0x8f: {  	_ = 	snop  }
0x90: {  	s2 =	sld [smem:$0x3FC9]  }
0x91: {  	s19 =	sld [smem:$0x3FC8]  }
0x92: {  	s4 =	sld [smem:$0x3FD0];
	(tm) =	ssettm $0x1  }
0x93: {  	s5 =	sld [smem:$0x3FFB];
	_ =	sdelay $0x3  }
0x94: {  	_ =	strace s5  }
0x95: {  	s5 =	sld [smem:$0x3FFC];
	_ =	sdelay $0x3  }
0x96: {  	_ =	strace s5  }
0x97: {  	s5 =	sld [smem:$0x3FFD];
	_ =	sdelay $0x3  }
0x98: {  	_ =	strace s5  }
0x99: {  	_ =	strace $0x8FFFFFFF  }
0x9a: {  	s20 =	sld [smem:$0x3FDB];
	_ =	sdelay $0x1  }
0x9b: {  	s6 =	simm.s32 $_scs_section_size  }
0x9c: {  	s7 =	simm.s32 $_size__tile_overlayer_lowered;
	s8 =	simm.s32 $_tile_overlayer_lowered  }
0x9d: {  	s23 =	simm.s32 $0x1BFF;
	s22 =	sshll.u32 s8, $0x1;
	s5 =	sadd.s32 s6, s20  }
0x9e: {  	s9 =	simm.s32 $0x0;
	s21 =	sshll.u32 s7, $0x1;
	s7 =	sadd.s32 s22, s5  }
0x9f: {  	[timem:s9], [sflag:s23] =	dma.local [hbm:s7], s21  }
0xa0: {  	_ =	swait.ge [sflag:s23], s21  }
0xa1: {  	s6 =	ssub.s32 $0x0, s21;
	[sflag:s23] =	ssyncset.done $0x0  }
0xa2: {  	[sflag:s23] =	ssyncadd.s32 s6;
	_ =	sdelay $0x1  }
0xa3: {  	s24 =	simm.s32 $0x1B8B  }
0xa4: {  	_ =	swait.ge [sflag:s24], $0x1  }
0xa5: {  	[sflag:s24] =	ssyncset.done $0x0  }
0xa6: {  	s25 =	simm.s32 $0x1B8E;
	[sflag:s24] =	ssyncadd.s32 $0xFFFFFFFF  }
0xa7: {  	s26 =	simm.s32 $execute0_lowered;
	[smem:$0x3FD2] =	sst s25  }
0xa8: {  	s6 =	sshll.u32 s26, $0x1;
	_ =	strace $0x80000046;
	[dreg:$0x1] =	wrdreg $0xFFFFFFFF  }
0xa9: {  	s28 =	simm.s32 $_size_execute0_lowered;
	s5 =	sadd.s32 s5, s6;
	[dreg:$0x0] =	wrdreg $0x0  }
0xaa: {  	s6 =	sshll.u32 s28, $0x1;
	[dreg:$0x2] =	wrdreg s5  }
0xab: {  	[dreg:$0x3] =	wrdreg s6  }
0xac: {  	[dreg:$0x4] =	wrdreg $0xC0  }
0xad: {  	_ =	task [dreg:s9], $0x5FFFF  }
0xae: {  	[dreg:$0x1] =	wrdreg $0xFFFFFFFF  }
0xaf: {  	[dreg:$0x0] =	wrdreg $0x60  }
0xb0: {  	[dreg:$0x2] =	wrdreg s19  }
0xb1: {  	[dreg:$0x3] =	wrdreg s2  }
0xb2: {  	[dreg:$0x4] =	wrdreg s4  }
0xb3: {  	[dreg:$0x5] =	wrdreg $0x9  }
0xb4: {  	_ =	task.clear_ibuf [dreg:s9], $0x6FFFF;
	_ =	strace $0x90000046  }
0xb5: {  	s29 =	simm.s32 $0x9;
	_ =	strace $0x80000048  }
0xb6: {  	_ =	swait.ge [sflag:s29], $0x1  }
0xb7: {  	[sflag:s29] =	ssyncadd.s32 $0xFFFFFFFF  }
0xb8: {  	_ =	strace $0x90000048  }
0xb9: {  	_ =	sfence  }
0xba: {  	s30 =	sld [smem:$0x0];
	_ =	sdelay $0x2  }
0xbb: {  	s31 =	sshll.u32 s1, $0xD;
	s1 =	sshrl.u32 s1, $0x2  }
0xbc: {  	s3 =	sand.u32 $0x4000, s31;
	s1 =	sadd.s32 s1, s30  }
0xbd: {  	s0 =	sor.u32 s3, s0;
	s1 =	sshll.u32 s1, $0x11  }
0xbe: {  	s0 =	sor.u32 s1, s0  }
0xbf: {  	s0 =	sadd.s32 $0x8F2B, s0  }
0xc0: {  	[sflag:s0] =	ssyncadd.remote.s32 $0x1  }
0xc1: {  	_ =	sfence.sel $0xFFFF  }
0xc2: {  	[dreg:$0x0] =	wrdreg $0xFFFFFFFF;
	(pc) =	sbr.abs _section_cstart, $3  }
0xc3: {  	[dreg:$0x1] =	wrdreg $0xFFFFFFFF  }
0xc4: {  	_ =	task.clear_ibuf [dreg:s9], $0x2FFFF;
	_ =	strace $0x9FFFFFFF  }
0xc5: {  	(tm) =	ssettm $0x7FFFFFFF  }
tec
execute0_lowered:
.L_overlay_start_1:
0x0: {  	(tag) =	ssettag $0x1  }
0x1: {  	s1 =	rddreg [dreg:$0x0]  }
0x2: {  	s3 =	rddreg [dreg:$0x1]  }
0x3: {  	s4 =	rddreg [dreg:$0x2]  }
0x4: {  	s5 =	srdreg.scid;
	s0 =	rddreg [dreg:$0x3]  }
0x5: {  	s2 =	stileid.u32;
	s11 =	simm.s32 $0x80;
	s12 =	simm.s32 $0x400  }
0x6: {  	s13 =	simm.s32 $0x1;
	s14 =	simm.s32 $0x2;
	s15 =	simm.s32 $0x0  }
.Ltmp0:
0x7: {  	s6 =	sand.u32 $0x1, s5;
	s5 =	simm.s32 $0x0;
	(pc) =	sbr.rel .LBB2_1-.Ltmp0, $4  }
0x8: {  	s8 =	sshll.u32 s2, $0x1;
	s7 =	ssub.s32 $0x2, s6;
	[smem:$0x7FF] =	sst s5  }
0x9: {  	s6 =	sor.u32 s6, s8;
	s8 =	sadd.s32 $0x2000, s4;
	s9 =	sshrl.u32 s7, $0x1  }
0xa: {  	_ =	strace $0x80000047;
	s6 =	smul.u32 $0x29, s6;
	s10 =	ssub.s32 s7, s9  }
0xb: {  	s7 =	sadd.s32 $0x1000, s4;
	s9 =	sadd.s32 $0x3000, s4;
	s10 =	smax.u32 s10, $0x1  }
.LBB2_21:
0xc: {  	s15 =	sadd.s32 $0x1, s15  }
0xd: {  	p0 =	sne.s32 s15, s10  }
.Ltmp1:
0xe: {  	_ = 	snop;
	(pc) =	sbr.rel @!p0 .LBB2_22-.Ltmp1, $1  }
0xf: {  	_ =	sdelay $0x3  }
.LBB2_1:
.Ltmp2:
0x10: {  	(pc) =	sbr.rel .LBB2_2-.Ltmp2, $2  }
0x11: {  	_ =	sdelay $0x2  }
0x12: {  	s19 =	simm.s32 $0xFFFFFFFF;
	s16 =	simm.s32 $0x0  }
.LBB2_20:
0x13: {  	s16 =	sadd.s32 $0x1, s16  }
0x14: {  	p0 =	sne.s32 s16, $0x29  }
.Ltmp3:
0x15: {  	_ = 	snop;
	(pc) =	sbr.rel @!p0 .LBB2_21-.Ltmp3, $2  }
0x16: {  	_ =	sdelay $0x2  }
0x17: {  	s19 =	smov.u32 s17  }
.LBB2_2:
0x18: {  	s18 =	sadd.s32 s6, s16  }
0x19: {  	p0 =	sgt.u32 s18, $0x513  }
.Ltmp4:
0x1a: {  	_ = 	snop;
	(pc) =	sbr.rel @p0 .LBB2_20-.Ltmp4, $3  }
0x1b: {  	s17 =	smin.u32 s18, $0x513  }
0x1c: {  	s17 =	smul.u32 $0x51F, s17;
	_ =	sdelay $0x1  }
0x1d: {  	s17 =	sshrl.u32 s17, $0x10  }
0x1e: {  	s20 =	sand.u32 $0xFFFE, s18  }
0x1f: {  	s20 =	sshrl.u32 s20, $0x1  }
0x20: {  	s20 =	smul.u32 $0x147B, s20;
	_ =	sdelay $0x1  }
0x21: {  	s20 =	sshrl.u32 s20, $0x11  }
0x22: {  	s20 =	smul.u32 $0x32, s20;
	_ =	sdelay $0x1  }
0x23: {  	s20 =	ssub.s32 s18, s20  }
0x24: {  	s21 =	sand.u32 $0xFFF8, s20  }
0x25: {  	s22 =	smul.u32 $0x558800, s17;
	s21 =	sshrl.u32 s21, $0x3  }
0x26: {  	s21 =	smul.u32 $0xC3800, s21  }
0x27: {  	s20 =	sshll.u32 s20, $0x7  }
0x28: {  	s20 =	sand.u32 $0x380, s20;
	s21 =	sadd.s32 s21, s22  }
0x29: {  	s20 =	sor.u32 s20, s21  }
0x2a: {  	p0 =	seq.s32 s19, s17;
	s20 =	sshrl.u32 s20, $0x3  }
0x2b: {  	s19 =	sshll.u32 @!p0 s17, $0x4;
	s20 =	sadd.s32 s1, s20  }
0x2c: {  	[tilespmem:s5], [sflag:$0x1] =	stream.strided.gather [hbm4b:s20+s11], $0x18700, s12, s11, $0x38;
	[tilespmem:$0x1E700] =	vst v63  }
0x2d: {  	s19 =	sand.u32 @!p0 $0x70, s19;
	s20 =	sshll.u32 @!p0 s17, $0xB  }
0x2e: {  	s19 =	sadd.s32 @!p0 s3, s19;
	s22 =	simm.s32 @!p0 $0x18700;
	s20 =	sand.u32 @!p0 $0x1C000, s20  }
0x2f: {  	s21 =	simm.s32 @!p0 $0x400;
	s19 =	sadd.s32 @!p0 s20, s19;
	s20 =	simm.s32 @!p0 $0x80  }
0x30: {  	[tilespmem:s22], [sflag:$0x3] =	stream.strided.gather @!p0 [hbm4b:s19+s20], $0x4000, s21, s20, $0x38;
	[tilespmem:$0x1E700] =	vst v63  }
0x31: {  	s19 =	simm.s32 @!p0 $0x3  }
0x32: {  	_ =	swait.ge @!p0 [sflag:s19], $0x4000  }
0x33: {  	[sflag:s19] =	ssyncset.done @!p0 $0x0  }
0x34: {  	[sflag:s19] =	ssyncadd.s32 @!p0 $0xFFFFC000  }
0x35: {  	_ =	swait.ge [sflag:s13], $0x18700  }
0x36: {  	s20 =	simm.s32 $0x18780;
	[sflag:s13] =	ssyncset.done $0x0  }
0x37: {  	s21 =	simm.s32 $0x1C800;
	s19 =	simm.s32 $0xFFFFFFF0;
	[sflag:s13] =	ssyncadd.s32 $0xFFFE7900  }
.LBB2_4:
0x38: {  	v0 =	vld [tilespmem:s20+$0xFFFFFF80];
	_ =	sdelay $0x7  }
0x39: {  	v0 =	vld.idx.msk [tilespmem:v0+s5+$0x0], $0xffff;
	_ =	sdelay $0x4  }
0x3a: {  	[tilespmem:s21+$0xFFFFFF00] =	vst v0  }
0x3b: {  	v0 =	vld [tilespmem:s20+$0xFFFFFF90];
	_ =	sdelay $0x7  }
0x3c: {  	v0 =	vld.idx.msk [tilespmem:v0+s5+$0x0], $0xffff;
	_ =	sdelay $0x4  }
0x3d: {  	[tilespmem:s21+$0xFFFFFF10] =	vst v0  }
0x3e: {  	v0 =	vld [tilespmem:s20+$0xFFFFFFA0];
	_ =	sdelay $0x7  }
0x3f: {  	v0 =	vld.idx.msk [tilespmem:v0+s5+$0x0], $0xffff;
	_ =	sdelay $0x4  }
0x40: {  	[tilespmem:s21+$0xFFFFFF20] =	vst v0  }
0x41: {  	v0 =	vld [tilespmem:s20+$0xFFFFFFB0];
	_ =	sdelay $0x7  }
0x42: {  	v0 =	vld.idx.msk [tilespmem:v0+s5+$0x0], $0xffff;
	_ =	sdelay $0x4  }
0x43: {  	[tilespmem:s21+$0xFFFFFF30] =	vst v0  }
0x44: {  	v0 =	vld [tilespmem:s20+$0xFFFFFFC0];
	_ =	sdelay $0x7  }
0x45: {  	v0 =	vld.idx.msk [tilespmem:v0+s5+$0x0], $0xffff;
	_ =	sdelay $0x4  }
0x46: {  	[tilespmem:s21+$0xFFFFFF40] =	vst v0  }
0x47: {  	v0 =	vld [tilespmem:s20+$0xFFFFFFD0];
	_ =	sdelay $0x7  }
0x48: {  	v0 =	vld.idx.msk [tilespmem:v0+s5+$0x0], $0xffff;
	_ =	sdelay $0x4  }
0x49: {  	[tilespmem:s21+$0xFFFFFF50] =	vst v0  }
0x4a: {  	v0 =	vld [tilespmem:s20+$0xFFFFFFE0];
	_ =	sdelay $0x7  }
0x4b: {  	v0 =	vld.idx.msk [tilespmem:v0+s5+$0x0], $0xffff;
	_ =	sdelay $0x4  }
0x4c: {  	[tilespmem:s21+$0xFFFFFF60] =	vst v0  }
0x4d: {  	v0 =	vld [tilespmem:s20+$0xFFFFFFF0];
	_ =	sdelay $0x7  }
0x4e: {  	v0 =	vld.idx.msk [tilespmem:v0+s5+$0x0], $0xffff;
	_ =	sdelay $0x4  }
0x4f: {  	[tilespmem:s21+$0xFFFFFF70] =	vst v0  }
0x50: {  	v0 =	vld [tilespmem:s20+$0x0];
	_ =	sdelay $0x7  }
0x51: {  	v0 =	vld.idx.msk [tilespmem:v0+s5+$0x0], $0xffff;
	_ =	sdelay $0x4  }
0x52: {  	[tilespmem:s21+$0x0] =	vst v0  }
0x53: {  	v0 =	vld [tilespmem:s20+$0x10];
	_ =	sdelay $0x7  }
0x54: {  	v0 =	vld.idx.msk [tilespmem:v0+s5+$0x0], $0xffff;
	_ =	sdelay $0x4  }
0x55: {  	[tilespmem:s21+$0x10] =	vst v0  }
0x56: {  	v0 =	vld [tilespmem:s20+$0x20];
	_ =	sdelay $0x7  }
0x57: {  	v0 =	vld.idx.msk [tilespmem:v0+s5+$0x0], $0xffff;
	_ =	sdelay $0x4  }
0x58: {  	[tilespmem:s21+$0x20] =	vst v0  }
0x59: {  	v0 =	vld [tilespmem:s20+$0x30];
	_ =	sdelay $0x7  }
0x5a: {  	v0 =	vld.idx.msk [tilespmem:v0+s5+$0x0], $0xffff;
	_ =	sdelay $0x4  }
0x5b: {  	[tilespmem:s21+$0x30] =	vst v0  }
0x5c: {  	v0 =	vld [tilespmem:s20+$0x40];
	_ =	sdelay $0x7  }
0x5d: {  	v0 =	vld.idx.msk [tilespmem:v0+s5+$0x0], $0xffff;
	_ =	sdelay $0x4  }
0x5e: {  	[tilespmem:s21+$0x40] =	vst v0  }
0x5f: {  	v0 =	vld [tilespmem:s20+$0x50];
	_ =	sdelay $0x7  }
0x60: {  	v0 =	vld.idx.msk [tilespmem:v0+s5+$0x0], $0xffff;
	_ =	sdelay $0x4  }
0x61: {  	[tilespmem:s21+$0x50] =	vst v0  }
0x62: {  	v0 =	vld [tilespmem:s20+$0x60];
	_ =	sdelay $0x7  }
0x63: {  	v0 =	vld.idx.msk [tilespmem:v0+s5+$0x0], $0xffff;
	_ =	sdelay $0x4  }
0x64: {  	[tilespmem:s21+$0x60] =	vst v0  }
0x65: {  	v0 =	vld [tilespmem:s20+$0x70];
	_ =	sdelay $0x6  }
0x66: {  	s19 =	sadd.s32 $0x10, s19  }
0x67: {  	p0 =	slt.u32 s19, $0xF0;
	v0 =	vld.idx.msk [tilespmem:v0+s5+$0x0], $0xffff  }
.Ltmp5:
0x68: {  	_ = 	snop;
	(pc) =	sbr.rel @p0 .LBB2_4-.Ltmp5, $2  }
0x69: {  	_ =	sdelay $0x2  }
0x6a: {  	s20 =	sadd.s32 $0x100, s20;
	[tilespmem:s21+$0x70] =	vst v0;
	s21 =	sadd.s32 $0x200, s21  }
0x6b: {  	s19 =	sshll.u32 s18, $0xB;
	s31 =	sshll.u32 s18, $0x4  }
0x6c: {  	s19 =	sand.u32 $0x3FC000, s19;
	s18 =	sand.u32 $0x70, s31  }
0x6d: {  	s18 =	sor.u32 s18, s19  }
0x6e: {  	s20 =	simm.s32 $0x0;
	s21 =	simm.s32 $0x1C700;
	s19 =	sadd.s32 s4, s18  }
.LBB2_6:
0x6f: {  	p0 =	sne.s32 s20, $0xF80  }
.Ltmp6:
0x70: {  	_ = 	snop;
	(pc) =	sbr.rel @p0 .LBB2_6-.Ltmp6, $4  }
0x71: {  	_ = 	snop  }
0x72: {  	s22 =	sadd.s32 s20, s19  }
0x73: {  	[hbm4b:s22+s5] =	stream.linear.scatter [tilespmem:s21], [sflag:$0x2], $0x80, $0x38;
	[tilespmem:$0x1E700] =	vst v63  }
0x74: {  	s20 =	sadd.s32 $0x80, s20;
	s21 =	sadd.s32 $0x100, s21  }
0x75: {  	s19 =	simm.s32 $0xFFFFFFF0;
	s20 =	simm.s32 $0x197F0;
	s21 =	simm.s32 $0x1C880  }
.LBB2_8:
0x76: {  	v0 =	vld [tilespmem:s20+$0xFFFFFF10];
	_ =	sdelay $0x7  }
0x77: {  	v0 =	vld.idx.msk [tilespmem:v0+s5+$0x0], $0xffff;
	_ =	sdelay $0x4  }
0x78: {  	[tilespmem:s21+$0xFFFFFF00] =	vst v0  }
0x79: {  	v0 =	vld [tilespmem:s20+$0xFFFFFF20];
	_ =	sdelay $0x7  }
0x7a: {  	v0 =	vld.idx.msk [tilespmem:v0+s5+$0x0], $0xffff;
	_ =	sdelay $0x4  }
0x7b: {  	[tilespmem:s21+$0xFFFFFF10] =	vst v0  }
0x7c: {  	v0 =	vld [tilespmem:s20+$0xFFFFFF30];
	_ =	sdelay $0x7  }
0x7d: {  	v0 =	vld.idx.msk [tilespmem:v0+s5+$0x0], $0xffff;
	_ =	sdelay $0x4  }
0x7e: {  	[tilespmem:s21+$0xFFFFFF20] =	vst v0  }
0x7f: {  	v0 =	vld [tilespmem:s20+$0xFFFFFF40];
	_ =	sdelay $0x7  }
0x80: {  	v0 =	vld.idx.msk [tilespmem:v0+s5+$0x0], $0xffff;
	_ =	sdelay $0x4  }
0x81: {  	[tilespmem:s21+$0xFFFFFF30] =	vst v0  }
0x82: {  	v0 =	vld [tilespmem:s20+$0xFFFFFF50];
	_ =	sdelay $0x7  }
0x83: {  	v0 =	vld.idx.msk [tilespmem:v0+s5+$0x0], $0xffff;
	_ =	sdelay $0x4  }
0x84: {  	[tilespmem:s21+$0xFFFFFF40] =	vst v0  }
0x85: {  	v0 =	vld [tilespmem:s20+$0xFFFFFF60];
	_ =	sdelay $0x7  }
0x86: {  	v0 =	vld.idx.msk [tilespmem:v0+s5+$0x0], $0xffff;
	_ =	sdelay $0x4  }
0x87: {  	[tilespmem:s21+$0xFFFFFF50] =	vst v0  }
0x88: {  	v0 =	vld [tilespmem:s20+$0xFFFFFF70];
	_ =	sdelay $0x7  }
0x89: {  	v0 =	vld.idx.msk [tilespmem:v0+s5+$0x0], $0xffff;
	_ =	sdelay $0x4  }
0x8a: {  	[tilespmem:s21+$0xFFFFFF60] =	vst v0  }
0x8b: {  	v0 =	vld [tilespmem:s20+$0xFFFFFF80];
	_ =	sdelay $0x7  }
0x8c: {  	v0 =	vld.idx.msk [tilespmem:v0+s5+$0x0], $0xffff;
	_ =	sdelay $0x4  }
0x8d: {  	[tilespmem:s21+$0xFFFFFF70] =	vst v0  }
0x8e: {  	v0 =	vld [tilespmem:s20+$0xFFFFFF90];
	_ =	sdelay $0x7  }
0x8f: {  	v0 =	vld.idx.msk [tilespmem:v0+s5+$0x0], $0xffff;
	_ =	sdelay $0x4  }
0x90: {  	[tilespmem:s21+$0x0] =	vst v0  }
0x91: {  	v0 =	vld [tilespmem:s20+$0xFFFFFFA0];
	_ =	sdelay $0x7  }
0x92: {  	v0 =	vld.idx.msk [tilespmem:v0+s5+$0x0], $0xffff;
	_ =	sdelay $0x4  }
0x93: {  	[tilespmem:s21+$0x10] =	vst v0  }
0x94: {  	v0 =	vld [tilespmem:s20+$0xFFFFFFB0];
	_ =	sdelay $0x7  }
0x95: {  	v0 =	vld.idx.msk [tilespmem:v0+s5+$0x0], $0xffff;
	_ =	sdelay $0x4  }
0x96: {  	[tilespmem:s21+$0x20] =	vst v0  }
0x97: {  	v0 =	vld [tilespmem:s20+$0xFFFFFFC0];
	_ =	sdelay $0x7  }
0x98: {  	v0 =	vld.idx.msk [tilespmem:v0+s5+$0x0], $0xffff;
	_ =	sdelay $0x4  }
0x99: {  	[tilespmem:s21+$0x30] =	vst v0  }
0x9a: {  	v0 =	vld [tilespmem:s20+$0xFFFFFFD0];
	_ =	sdelay $0x7  }
0x9b: {  	v0 =	vld.idx.msk [tilespmem:v0+s5+$0x0], $0xffff;
	_ =	sdelay $0x4  }
0x9c: {  	[tilespmem:s21+$0x40] =	vst v0  }
0x9d: {  	v0 =	vld [tilespmem:s20+$0xFFFFFFE0];
	_ =	sdelay $0x7  }
0x9e: {  	v0 =	vld.idx.msk [tilespmem:v0+s5+$0x0], $0xffff;
	_ =	sdelay $0x4  }
0x9f: {  	[tilespmem:s21+$0x50] =	vst v0  }
0xa0: {  	v0 =	vld [tilespmem:s20+$0xFFFFFFF0];
	_ =	sdelay $0x7  }
0xa1: {  	v0 =	vld.idx.msk [tilespmem:v0+s5+$0x0], $0xffff;
	_ =	sdelay $0x4  }
0xa2: {  	[tilespmem:s21+$0x60] =	vst v0  }
0xa3: {  	v0 =	vld [tilespmem:s20+$0x0];
	_ =	sdelay $0x6  }
0xa4: {  	s19 =	sadd.s32 $0x10, s19  }
0xa5: {  	p0 =	slt.u32 s19, $0xF0;
	v0 =	vld.idx.msk [tilespmem:v0+s5+$0x0], $0xffff  }
.Ltmp7:
0xa6: {  	_ = 	snop;
	(pc) =	sbr.rel @p0 .LBB2_8-.Ltmp7, $2  }
0xa7: {  	_ =	sdelay $0x2  }
0xa8: {  	s20 =	sadd.s32 $0x100, s20;
	[tilespmem:s21+$0x70] =	vst v0;
	s21 =	sadd.s32 $0x200, s21  }
0xa9: {  	s19 =	sadd.s32 s18, s7;
	s20 =	simm.s32 $0x1C780  }
0xaa: {  	s21 =	simm.s32 $0x80;
	s22 =	simm.s32 $0x1C880;
	s23 =	sadd.s32 $0x0, s19  }
.LBB2_10:
0xab: {  	[hbm4b:s23+s5] =	stream.linear.scatter [tilespmem:s20], [sflag:$0x2], $0x80, $0x38;
	[tilespmem:$0x1E700] =	vst v63  }
0xac: {  	s23 =	smov.u32 s21;
	s20 =	smov.u32 s22;
	p0 =	sne.s32 s21, $0xF80  }
.Ltmp8:
0xad: {  	s21 =	sadd.s32 $0x80, s21;
	(pc) =	sbr.rel @p0 .LBB2_10-.Ltmp8, $2  }
0xae: {  	_ =	sdelay $0x2  }
0xaf: {  	s22 =	sadd.s32 $0x100, s22;
	s23 =	sadd.s32 s23, s19  }
0xb0: {  	[hbm4b:s23+s5] =	stream.linear.scatter [tilespmem:s20], [sflag:$0x2], $0x80, $0x38;
	[tilespmem:$0x1E700] =	vst v63  }
0xb1: {  	_ =	swait.ge [sflag:s14], $0x1000  }
0xb2: {  	s19 =	simm.s32 $0xFFFFFFF0;
	[sflag:s14] =	ssyncset.done $0x0  }
0xb3: {  	s20 =	simm.s32 $0x1A7F0;
	s21 =	simm.s32 $0x1C800;
	[sflag:s14] =	ssyncadd.s32 $0xFFFFF000  }
.LBB2_12:
0xb4: {  	v0 =	vld [tilespmem:s20+$0xFFFFFF10];
	_ =	sdelay $0x7  }
0xb5: {  	v0 =	vld.idx.msk [tilespmem:v0+s5+$0x0], $0xffff;
	_ =	sdelay $0x4  }
0xb6: {  	[tilespmem:s21+$0xFFFFFF00] =	vst v0  }
0xb7: {  	v0 =	vld [tilespmem:s20+$0xFFFFFF20];
	_ =	sdelay $0x7  }
0xb8: {  	v0 =	vld.idx.msk [tilespmem:v0+s5+$0x0], $0xffff;
	_ =	sdelay $0x4  }
0xb9: {  	[tilespmem:s21+$0xFFFFFF10] =	vst v0  }
0xba: {  	v0 =	vld [tilespmem:s20+$0xFFFFFF30];
	_ =	sdelay $0x7  }
0xbb: {  	v0 =	vld.idx.msk [tilespmem:v0+s5+$0x0], $0xffff;
	_ =	sdelay $0x4  }
0xbc: {  	[tilespmem:s21+$0xFFFFFF20] =	vst v0  }
0xbd: {  	v0 =	vld [tilespmem:s20+$0xFFFFFF40];
	_ =	sdelay $0x7  }
0xbe: {  	v0 =	vld.idx.msk [tilespmem:v0+s5+$0x0], $0xffff;
	_ =	sdelay $0x4  }
0xbf: {  	[tilespmem:s21+$0xFFFFFF30] =	vst v0  }
0xc0: {  	v0 =	vld [tilespmem:s20+$0xFFFFFF50];
	_ =	sdelay $0x7  }
0xc1: {  	v0 =	vld.idx.msk [tilespmem:v0+s5+$0x0], $0xffff;
	_ =	sdelay $0x4  }
0xc2: {  	[tilespmem:s21+$0xFFFFFF40] =	vst v0  }
0xc3: {  	v0 =	vld [tilespmem:s20+$0xFFFFFF60];
	_ =	sdelay $0x7  }
0xc4: {  	v0 =	vld.idx.msk [tilespmem:v0+s5+$0x0], $0xffff;
	_ =	sdelay $0x4  }
0xc5: {  	[tilespmem:s21+$0xFFFFFF50] =	vst v0  }
0xc6: {  	v0 =	vld [tilespmem:s20+$0xFFFFFF70];
	_ =	sdelay $0x7  }
0xc7: {  	v0 =	vld.idx.msk [tilespmem:v0+s5+$0x0], $0xffff;
	_ =	sdelay $0x4  }
0xc8: {  	[tilespmem:s21+$0xFFFFFF60] =	vst v0  }
0xc9: {  	v0 =	vld [tilespmem:s20+$0xFFFFFF80];
	_ =	sdelay $0x7  }
0xca: {  	v0 =	vld.idx.msk [tilespmem:v0+s5+$0x0], $0xffff;
	_ =	sdelay $0x4  }
0xcb: {  	[tilespmem:s21+$0xFFFFFF70] =	vst v0  }
0xcc: {  	v0 =	vld [tilespmem:s20+$0xFFFFFF90];
	_ =	sdelay $0x7  }
0xcd: {  	v0 =	vld.idx.msk [tilespmem:v0+s5+$0x0], $0xffff;
	_ =	sdelay $0x4  }
0xce: {  	[tilespmem:s21+$0x0] =	vst v0  }
0xcf: {  	v0 =	vld [tilespmem:s20+$0xFFFFFFA0];
	_ =	sdelay $0x7  }
0xd0: {  	v0 =	vld.idx.msk [tilespmem:v0+s5+$0x0], $0xffff;
	_ =	sdelay $0x4  }
0xd1: {  	[tilespmem:s21+$0x10] =	vst v0  }
0xd2: {  	v0 =	vld [tilespmem:s20+$0xFFFFFFB0];
	_ =	sdelay $0x7  }
0xd3: {  	v0 =	vld.idx.msk [tilespmem:v0+s5+$0x0], $0xffff;
	_ =	sdelay $0x4  }
0xd4: {  	[tilespmem:s21+$0x20] =	vst v0  }
0xd5: {  	v0 =	vld [tilespmem:s20+$0xFFFFFFC0];
	_ =	sdelay $0x7  }
0xd6: {  	v0 =	vld.idx.msk [tilespmem:v0+s5+$0x0], $0xffff;
	_ =	sdelay $0x4  }
0xd7: {  	[tilespmem:s21+$0x30] =	vst v0  }
0xd8: {  	v0 =	vld [tilespmem:s20+$0xFFFFFFD0];
	_ =	sdelay $0x7  }
0xd9: {  	v0 =	vld.idx.msk [tilespmem:v0+s5+$0x0], $0xffff;
	_ =	sdelay $0x4  }
0xda: {  	[tilespmem:s21+$0x40] =	vst v0  }
0xdb: {  	v0 =	vld [tilespmem:s20+$0xFFFFFFE0];
	_ =	sdelay $0x7  }
0xdc: {  	v0 =	vld.idx.msk [tilespmem:v0+s5+$0x0], $0xffff;
	_ =	sdelay $0x4  }
0xdd: {  	[tilespmem:s21+$0x50] =	vst v0  }
0xde: {  	v0 =	vld [tilespmem:s20+$0xFFFFFFF0];
	_ =	sdelay $0x7  }
0xdf: {  	v0 =	vld.idx.msk [tilespmem:v0+s5+$0x0], $0xffff;
	_ =	sdelay $0x4  }
0xe0: {  	[tilespmem:s21+$0x60] =	vst v0  }
0xe1: {  	v0 =	vld [tilespmem:s20+$0x0];
	_ =	sdelay $0x6  }
0xe2: {  	s19 =	sadd.s32 $0x10, s19  }
0xe3: {  	p0 =	slt.u32 s19, $0xF0;
	v0 =	vld.idx.msk [tilespmem:v0+s5+$0x0], $0xffff  }
.Ltmp9:
0xe4: {  	_ = 	snop;
	(pc) =	sbr.rel @p0 .LBB2_12-.Ltmp9, $2  }
0xe5: {  	_ =	sdelay $0x2  }
0xe6: {  	s20 =	sadd.s32 $0x100, s20;
	[tilespmem:s21+$0x70] =	vst v0;
	s21 =	sadd.s32 $0x200, s21  }
0xe7: {  	s19 =	sadd.s32 s18, s8;
	s20 =	simm.s32 $0x1C700  }
0xe8: {  	s21 =	simm.s32 $0x80;
	s22 =	simm.s32 $0x1C800;
	s23 =	sadd.s32 $0x0, s19  }
.LBB2_14:
0xe9: {  	[hbm4b:s23+s5] =	stream.linear.scatter [tilespmem:s20], [sflag:$0x2], $0x80, $0x38;
	[tilespmem:$0x1E700] =	vst v63  }
0xea: {  	s23 =	smov.u32 s21;
	s20 =	smov.u32 s22;
	p0 =	sne.s32 s21, $0xF80  }
.Ltmp10:
0xeb: {  	s21 =	sadd.s32 $0x80, s21;
	(pc) =	sbr.rel @p0 .LBB2_14-.Ltmp10, $2  }
0xec: {  	_ =	sdelay $0x2  }
0xed: {  	s22 =	sadd.s32 $0x100, s22;
	s23 =	sadd.s32 s23, s19  }
0xee: {  	[hbm4b:s23+s5] =	stream.linear.scatter [tilespmem:s20], [sflag:$0x2], $0x80, $0x38;
	[tilespmem:$0x1E700] =	vst v63  }
0xef: {  	_ =	swait.ge [sflag:s14], $0x1000  }
0xf0: {  	s19 =	simm.s32 $0xFFFFFFF0;
	[sflag:s14] =	ssyncset.done $0x0  }
0xf1: {  	s20 =	simm.s32 $0x1B7F0;
	s21 =	simm.s32 $0x1C880;
	[sflag:s14] =	ssyncadd.s32 $0xFFFFF000  }
.LBB2_16:
0xf2: {  	v0 =	vld [tilespmem:s20+$0xFFFFFF10];
	_ =	sdelay $0x7  }
0xf3: {  	v0 =	vld.idx.msk [tilespmem:v0+s5+$0x0], $0xffff;
	_ =	sdelay $0x4  }
0xf4: {  	[tilespmem:s21+$0xFFFFFF00] =	vst v0  }
0xf5: {  	v0 =	vld [tilespmem:s20+$0xFFFFFF20];
	_ =	sdelay $0x7  }
0xf6: {  	v0 =	vld.idx.msk [tilespmem:v0+s5+$0x0], $0xffff;
	_ =	sdelay $0x4  }
0xf7: {  	[tilespmem:s21+$0xFFFFFF10] =	vst v0  }
0xf8: {  	v0 =	vld [tilespmem:s20+$0xFFFFFF30];
	_ =	sdelay $0x7  }
0xf9: {  	v0 =	vld.idx.msk [tilespmem:v0+s5+$0x0], $0xffff;
	_ =	sdelay $0x4  }
0xfa: {  	[tilespmem:s21+$0xFFFFFF20] =	vst v0  }
0xfb: {  	v0 =	vld [tilespmem:s20+$0xFFFFFF40];
	_ =	sdelay $0x7  }
0xfc: {  	v0 =	vld.idx.msk [tilespmem:v0+s5+$0x0], $0xffff;
	_ =	sdelay $0x4  }
0xfd: {  	[tilespmem:s21+$0xFFFFFF30] =	vst v0  }
0xfe: {  	v0 =	vld [tilespmem:s20+$0xFFFFFF50];
	_ =	sdelay $0x7  }
0xff: {  	v0 =	vld.idx.msk [tilespmem:v0+s5+$0x0], $0xffff;
	_ =	sdelay $0x4  }
0x100: {  	[tilespmem:s21+$0xFFFFFF40] =	vst v0  }
0x101: {  	v0 =	vld [tilespmem:s20+$0xFFFFFF60];
	_ =	sdelay $0x7  }
0x102: {  	v0 =	vld.idx.msk [tilespmem:v0+s5+$0x0], $0xffff;
	_ =	sdelay $0x4  }
0x103: {  	[tilespmem:s21+$0xFFFFFF50] =	vst v0  }
0x104: {  	v0 =	vld [tilespmem:s20+$0xFFFFFF70];
	_ =	sdelay $0x7  }
0x105: {  	v0 =	vld.idx.msk [tilespmem:v0+s5+$0x0], $0xffff;
	_ =	sdelay $0x4  }
0x106: {  	[tilespmem:s21+$0xFFFFFF60] =	vst v0  }
0x107: {  	v0 =	vld [tilespmem:s20+$0xFFFFFF80];
	_ =	sdelay $0x7  }
0x108: {  	v0 =	vld.idx.msk [tilespmem:v0+s5+$0x0], $0xffff;
	_ =	sdelay $0x4  }
0x109: {  	[tilespmem:s21+$0xFFFFFF70] =	vst v0  }
0x10a: {  	v0 =	vld [tilespmem:s20+$0xFFFFFF90];
	_ =	sdelay $0x7  }
0x10b: {  	v0 =	vld.idx.msk [tilespmem:v0+s5+$0x0], $0xffff;
	_ =	sdelay $0x4  }
0x10c: {  	[tilespmem:s21+$0x0] =	vst v0  }
0x10d: {  	v0 =	vld [tilespmem:s20+$0xFFFFFFA0];
	_ =	sdelay $0x7  }
0x10e: {  	v0 =	vld.idx.msk [tilespmem:v0+s5+$0x0], $0xffff;
	_ =	sdelay $0x4  }
0x10f: {  	[tilespmem:s21+$0x10] =	vst v0  }
0x110: {  	v0 =	vld [tilespmem:s20+$0xFFFFFFB0];
	_ =	sdelay $0x7  }
0x111: {  	v0 =	vld.idx.msk [tilespmem:v0+s5+$0x0], $0xffff;
	_ =	sdelay $0x4  }
0x112: {  	[tilespmem:s21+$0x20] =	vst v0  }
0x113: {  	v0 =	vld [tilespmem:s20+$0xFFFFFFC0];
	_ =	sdelay $0x7  }
0x114: {  	v0 =	vld.idx.msk [tilespmem:v0+s5+$0x0], $0xffff;
	_ =	sdelay $0x4  }
0x115: {  	[tilespmem:s21+$0x30] =	vst v0  }
0x116: {  	v0 =	vld [tilespmem:s20+$0xFFFFFFD0];
	_ =	sdelay $0x7  }
0x117: {  	v0 =	vld.idx.msk [tilespmem:v0+s5+$0x0], $0xffff;
	_ =	sdelay $0x4  }
0x118: {  	[tilespmem:s21+$0x40] =	vst v0  }
0x119: {  	v0 =	vld [tilespmem:s20+$0xFFFFFFE0];
	_ =	sdelay $0x7  }
0x11a: {  	v0 =	vld.idx.msk [tilespmem:v0+s5+$0x0], $0xffff;
	_ =	sdelay $0x4  }
0x11b: {  	[tilespmem:s21+$0x50] =	vst v0  }
0x11c: {  	v0 =	vld [tilespmem:s20+$0xFFFFFFF0];
	_ =	sdelay $0x7  }
0x11d: {  	v0 =	vld.idx.msk [tilespmem:v0+s5+$0x0], $0xffff;
	_ =	sdelay $0x4  }
0x11e: {  	[tilespmem:s21+$0x60] =	vst v0  }
0x11f: {  	v0 =	vld [tilespmem:s20+$0x0];
	_ =	sdelay $0x6  }
0x120: {  	s19 =	sadd.s32 $0x10, s19  }
0x121: {  	p0 =	slt.u32 s19, $0xF0;
	v0 =	vld.idx.msk [tilespmem:v0+s5+$0x0], $0xffff  }
.Ltmp11:
0x122: {  	_ = 	snop;
	(pc) =	sbr.rel @p0 .LBB2_16-.Ltmp11, $2  }
0x123: {  	_ =	sdelay $0x2  }
0x124: {  	s20 =	sadd.s32 $0x100, s20;
	[tilespmem:s21+$0x70] =	vst v0;
	s21 =	sadd.s32 $0x200, s21  }
0x125: {  	s18 =	sadd.s32 s18, s9;
	s19 =	simm.s32 $0x1C780  }
0x126: {  	s20 =	simm.s32 $0x80;
	s21 =	simm.s32 $0x1C880;
	s22 =	sadd.s32 $0x0, s18  }
.LBB2_18:
0x127: {  	[hbm4b:s22+s5] =	stream.linear.scatter [tilespmem:s19], [sflag:$0x2], $0x80, $0x38;
	[tilespmem:$0x1E700] =	vst v63  }
0x128: {  	s22 =	smov.u32 s20;
	s19 =	smov.u32 s21;
	p0 =	sne.s32 s20, $0xF80  }
.Ltmp12:
0x129: {  	s20 =	sadd.s32 $0x80, s20;
	(pc) =	sbr.rel @p0 .LBB2_18-.Ltmp12, $2  }
0x12a: {  	_ =	sdelay $0x2  }
0x12b: {  	s21 =	sadd.s32 $0x100, s21;
	s22 =	sadd.s32 s22, s18  }
0x12c: {  	[hbm4b:s22+s5] =	stream.linear.scatter [tilespmem:s19], [sflag:$0x2], $0x80, $0x38;
	[tilespmem:$0x1E700] =	vst v63  }
0x12d: {  	_ =	swait.ge [sflag:s14], $0x1000  }
.Ltmp13:
0x12e: {  	[sflag:s14] =	ssyncset.done $0x0;
	(pc) =	sbr.rel .LBB2_20-.Ltmp13, $4  }
0x12f: {  	[sflag:s14] =	ssyncadd.s32 $0xFFFFF000  }
0x130: {  	_ =	swait.ge [sflag:s14], $0x1000  }
0x131: {  	[sflag:s14] =	ssyncset.done $0x0  }
0x132: {  	[sflag:s14] =	ssyncadd.s32 $0xFFFFF000  }
.LBB2_22:
0x133: {  	_ =	sfence.sel $0x180000  }
0x134: {  	[bflag:$0x0] =	sbarrier.arrive $0xFFFF  }
0x135: {  	p0 =	sne.s32 s2, $0x0;
	_ =	strace $0x90000047  }
0x136: {  	s0 =	sadd.s32 @!p0 $0x100000, s0;
	[bflag:$0x2] =	sbarrier.arrive $0xFFFF  }
0x137: {  	[sflag:s0] =	ssyncadd.tile.s32 @!p0 $0x1;
	_ =	shalt  }
.Lfunc_end2:
_tile_overlayer_lowered:
.L_overlay_start_2:
0x138: {  	(tag) =	ssettag $0x2  }
0x139: {  	s0 =	rddreg [dreg:$0x0];
	s2 =	stileid.u32  }
0x13a: {  	s1 =	rddreg [dreg:$0x1];
	p0 =	sne.s32 s2, $0x0  }
0x13b: {  	s3 =	rddreg [dreg:$0x2];
	[bflag:$0x3] =	sbarrier.arrive $0xFFFF;
	s2 =	simm.s32 @!p0 $0x1C03  }
0x13c: {  	[timem:s3], [sflag:s2] =	dma.local @!p0 [hbm:s0], s1  }
0x13d: {  	s0 =	simm.s32 @!p0 $0x3  }
0x13e: {  	_ =	swait.ge @!p0 [sflag:s0], s1  }
0x13f: {  	s1 =	ssub.s32 @!p0 $0x0, s1;
	[sflag:s0] =	ssyncset.done @!p0 $0x0  }
0x140: {  	[sflag:s0] =	ssyncadd.s32 @!p0 s1  }
0x141: {  	[bflag:$0x3] =	sbarrier.arrive $0xFFFF  }
0x142: {  	_ =	shalt  }

</sc_bundles>
